<compile_context>
chip_gen: v7x
topology: tpu7x:2x2x1
jax: 0.10.2.dev20260603
libtpu: 0.0.44.dev20260713+nightly
codegen_flags: <defaults>
</compile_context>

<pallas_src>
import functools

import jax
import jax.numpy as jnp
from jax import lax
from jax.experimental import pallas as pl
from jax.experimental.pallas import tpu as pltpu
from jax.experimental.pallas import tpu_sc as plsc


def _make_gather(V, D, B0, B1, NJ, NP, chunk_p):
    P = B0 // 2
    p_per_w = P // NP
    n_chunks = p_per_w // chunk_p
    assert B1 % NJ == 0 and P % NP == 0 and p_per_w % chunk_p == 0
    j_per_w = B1 // NJ
    mesh = plsc.VectorSubcoreMesh(core_axis_name="c", subcore_axis_name="s")

    @functools.partial(
        pl.kernel,
        mesh=mesh,
        compiler_params=pltpu.CompilerParams(use_tc_tiling_on_sc=False),
        out_type=jax.ShapeDtypeStruct((B1, P, 2 * D), jnp.float32),
        scratch_types=[
            pltpu.VMEM((j_per_w, 2, p_per_w), jnp.int32),
            pltpu.VMEM((chunk_p, D), jnp.float32),
            pltpu.VMEM((chunk_p, D), jnp.float32),
            pltpu.VMEM((chunk_p, D), jnp.float32),
            pltpu.VMEM((chunk_p, D), jnp.float32),
            pltpu.VMEM((chunk_p, D), jnp.float32),
            pltpu.VMEM((chunk_p, D), jnp.float32),
            pltpu.SemaphoreType.DMA,
            pltpu.SemaphoreType.DMA,
            pltpu.SemaphoreType.DMA,
            pltpu.SemaphoreType.DMA,
            pltpu.SemaphoreType.DMA,
            pltpu.SemaphoreType.DMA,
        ],
    )
    def gather_kernel(idx_hbm, table_hbm, out_hbm, idx_v, bufe0, bufo0,
                      bufe1, bufo1, bufe2, bufo2,
                      gsem0, gsem1, gsem2, wsem0, wsem1, wsem2):
        nc = lax.axis_size("c")
        wid = lax.axis_index("s") * nc + lax.axis_index("c")
        a = wid // NP
        b = wid % NP
        j0 = a * j_per_w
        pbase = b * p_per_w

        buf = ((bufe0, bufo0), (bufe1, bufo1), (bufe2, bufo2))
        gsem = (gsem0, gsem1, gsem2)
        wsem = (wsem0, wsem1, wsem2)

        pltpu.sync_copy(
            idx_hbm.at[pl.ds(j0, j_per_w), :, pl.ds(pbase, p_per_w)], idx_v)

        def idx_slice(t, par):
            jj = t // n_chunks
            poff = (t % n_chunks) * chunk_p
            return idx_v.at[jj, par, pl.ds(poff, chunk_p)]

        def start_gather(t, s):
            pltpu.async_copy(
                table_hbm.at[idx_slice(t, 0)], buf[s][0], gsem[s])
            pltpu.async_copy(
                table_hbm.at[idx_slice(t, 1)], buf[s][1], gsem[s])

        def wait_gather(t, s):
            pltpu.make_async_copy(
                table_hbm.at[idx_slice(t, 0)], buf[s][0], gsem[s]).wait()
            pltpu.make_async_copy(
                table_hbm.at[idx_slice(t, 1)], buf[s][1], gsem[s]).wait()

        def out_slice(t, par):
            jj = t // n_chunks
            poff = pbase + (t % n_chunks) * chunk_p
            return out_hbm.at[j0 + jj, pl.ds(poff, chunk_p),
                              pl.ds(par * D, D)]

        def start_wb(t, s):
            pltpu.async_copy(buf[s][0], out_slice(t, 0), wsem[s])
            pltpu.async_copy(buf[s][1], out_slice(t, 1), wsem[s])

        def wait_wb(t, s):
            pltpu.make_async_copy(buf[s][0], out_slice(t, 0), wsem[s]).wait()
            pltpu.make_async_copy(buf[s][1], out_slice(t, 1), wsem[s]).wait()

        n_tot = j_per_w * n_chunks
        nb = 3
        assert n_tot >= nb + 1

        def step(t):
            s = t % nb
            if t >= 1:
                wait_wb(t - 1, (t - 1) % nb)
            if t + nb - 1 <= n_tot - 1:
                start_gather(t + nb - 1, (t + nb - 1) % nb)
            wait_gather(t, s)
            start_wb(t, s)

        for t in range(nb - 1):
            start_gather(t, t)
        step(0)

        n_steady = n_tot - 1
        n_blocks = n_steady // nb

        def body(k, carry):
            for s0 in range(nb):
                t = nb * k + 1 + s0
                s = (1 + s0) % nb
                wait_wb(t - 1, (s + nb - 1) % nb)
                g = t + nb - 1

                @pl.when(g <= n_tot - 1)
                def _():
                    start_gather(g, (s + nb - 1) % nb)

                wait_gather(t, s)
                start_wb(t, s)
            return carry

        lax.fori_loop(0, n_blocks, body, 0)
        for t in range(nb * n_blocks + 1, n_tot):
            step(t)
        wait_wb(n_tot - 1, (n_tot - 1) % nb)

    return gather_kernel


def kernel(x, table):
    V, D = table.shape
    B0, B1 = x.shape
    idx = jnp.transpose(
        jnp.reshape(jnp.transpose(x), (B1, B0 // 2, 2)), (0, 2, 1)
    ).astype(jnp.int32)
    NJ, NP = 8, 4
    chunk_p = 256
    out = _make_gather(V, D, B0, B1, NJ, NP, chunk_p)(idx, table)
    out4 = jnp.reshape(out, (B1, B0 // 2, 2, D))
    return jnp.reshape(jnp.transpose(out4, (1, 2, 0, 3)), (B0, B1, D))

# --- scband reference (transcript-rebuilt; emitter-appended) ---
"""Pipeline reference for scband-embedding-47132971106397 (READ-ONLY COPY).

The authoritative reference and input builder live on the scoring server;
editing this copy changes nothing except your own understanding.
"""

import jax, jax.numpy as jnp
import numpy as np

VOCAB = 1000000
EMB = 64

def setup_inputs(seed: int = 0) -> dict:
    key = jax.random.key(seed)
    k_idx, k_tab = jax.random.split(key)
    x = jax.random.randint(k_idx, (4096, 200), 0, VOCAB, dtype=jnp.int64 if jax.config.jax_enable_x64 else jnp.int32)
    table = jax.random.normal(k_tab, (VOCAB, EMB), dtype=jnp.float32) * 0.02
    return {"x": x, "table": table}

def reference(x, table):
    # nn.Embedding forward: row gather from the embedding table
    return jnp.take(table, x, axis=0)

if __name__ == "__main__":
    import jax
    _d = setup_inputs()
    print(jax.jit(kernel)(*tuple(_d.values())))

</pallas_src>

<mosaic_0001>
#map = affine_map<(d0, d1) -> (0, 0, 0)>
#map1 = affine_map<(d0, d1) -> (0, 0)>
module attributes {stable_mosaic.version = 14 : i64} {
  func.func @gather_kernel(%arg0: i32, %arg1: i32, %arg2: memref<200x2x2048xi32, #tpu.memory_space<hbm>>, %arg3: memref<1000000x64xf32, #tpu.memory_space<hbm>>, %arg4: memref<200x2048x128xf32, #tpu.memory_space<hbm>>, %arg5: memref<25x2x512xi32, #tpu.memory_space<vmem>>, %arg6: memref<256x64xf32, #tpu.memory_space<vmem>>, %arg7: memref<256x64xf32, #tpu.memory_space<vmem>>, %arg8: memref<256x64xf32, #tpu.memory_space<vmem>>, %arg9: memref<256x64xf32, #tpu.memory_space<vmem>>, %arg10: memref<256x64xf32, #tpu.memory_space<vmem>>, %arg11: memref<256x64xf32, #tpu.memory_space<vmem>>, %arg12: memref<!tpu.dma_semaphore, #tpu.memory_space<semaphore_mem>>, %arg13: memref<!tpu.dma_semaphore, #tpu.memory_space<semaphore_mem>>, %arg14: memref<!tpu.dma_semaphore, #tpu.memory_space<semaphore_mem>>, %arg15: memref<!tpu.dma_semaphore, #tpu.memory_space<semaphore_mem>>, %arg16: memref<!tpu.dma_semaphore, #tpu.memory_space<semaphore_mem>>, %arg17: memref<!tpu.dma_semaphore, #tpu.memory_space<semaphore_mem>>) attributes {dimension_semantics = [#tpu.dimension_semantics<core_parallel>, #tpu.dimension_semantics<subcore_parallel>], iteration_bounds = array<i64: 2, 16>, scalar_prefetch = 0 : i64, scratch_operands = 13 : i64, tpu.core_type = #tpu.core_type<sc_vector_subcore>, window_params = [{transform_indices = #map}, {transform_indices = #map1}, {transform_indices = #map}]} {
    %mul3A = arith.constant 2 : i32
    %mul3A_0 = arith.muli %arg1, %mul3A : i32
    %add3A = arith.addi %mul3A_0, %arg0 : i32
    %jit3A = arith.constant 4 : i32
    %div3A = arith.divsi %add3A, %jit3A : i32
    %sign3A = arith.constant 0 : i32
    %sign3A_1 = arith.cmpi sgt, %add3A, %sign3A : i32
    %sign3A_2 = arith.extui %sign3A_1 : i1 to i32
    %sign3A_3 = arith.constant 0 : i32
    %sign3A_4 = arith.cmpi slt, %add3A, %sign3A_3 : i32
    %sign3A_5 = arith.extui %sign3A_4 : i1 to i32
    %sign3A_6 = arith.subi %sign3A_2, %sign3A_5 : i32
    %sign3A_7 = arith.constant 0 : i32
    %sign3A_8 = arith.cmpi sgt, %jit3A, %sign3A_7 : i32
    %sign3A_9 = arith.extui %sign3A_8 : i1 to i32
    %sign3A_10 = arith.constant 0 : i32
    %sign3A_11 = arith.cmpi slt, %jit3A, %sign3A_10 : i32
    %sign3A_12 = arith.extui %sign3A_11 : i1 to i32
    %sign3A_13 = arith.subi %sign3A_9, %sign3A_12 : i32
    %ne3A = arith.cmpi ne, %sign3A_6, %sign3A_13 : i32
    %rem3A = arith.remsi %add3A, %jit3A : i32
    %ne3A_14 = arith.constant 0 : i32
    %ne3A_15 = arith.cmpi ne, %rem3A, %ne3A_14 : i32
    %and3A = arith.andi %ne3A, %ne3A_15 : i1
    %sub3A = arith.constant 1 : i32
    %sub3A_16 = arith.subi %div3A, %sub3A : i32
    %select_n3A = arith.select %and3A, %sub3A_16, %div3A : i32
    %jit3A_17 = arith.constant 4 : i32
    %eq3A = arith.constant 0 : i32
    %eq3A_18 = arith.cmpi eq, %jit3A_17, %eq3A : i32
    %jit3A_19 = arith.constant 1 : i32
    %select_n3A_20 = arith.select %eq3A_18, %jit3A_19, %jit3A_17 : i32
    %rem3A_21 = arith.remsi %add3A, %select_n3A_20 : i32
    %ne3A_22 = arith.constant 0 : i32
    %ne3A_23 = arith.cmpi ne, %rem3A_21, %ne3A_22 : i32
    %lt3A = arith.constant 0 : i32
    %lt3A_24 = arith.cmpi slt, %rem3A_21, %lt3A : i32
    %lt3A_25 = arith.constant 0 : i32
    %lt3A_26 = arith.cmpi slt, %select_n3A_20, %lt3A_25 : i32
    %ne3A_27 = arith.xori %lt3A_24, %lt3A_26 : i1
    %and3A_28 = arith.andi %ne3A_27, %ne3A_23 : i1
    %add3A_29 = arith.addi %rem3A_21, %select_n3A_20 : i32
    %select_n3A_30 = arith.select %and3A_28, %add3A_29, %rem3A_21 : i32
    %mul3A_31 = arith.constant 25 : i32
    %mul3A_32 = arith.muli %select_n3A, %mul3A_31 : i32
    %mul3A_33 = arith.constant 512 : i32
    %mul3A_34 = arith.muli %select_n3A_30, %mul3A_33 : i32
    "tpu.region"() ({
      %run_scoped3A = tpu.sem_alloc : memref<!tpu.dma_semaphore, #tpu.memory_space<semaphore_mem>>
      %dma_start3A_198 = arith.constant 0 : i32
      %dma_start3A_199 = tpu.memref_slice %arg2[%mul3A_32, %dma_start3A_198, %mul3A_34] : memref<200x2x2048xi32, #tpu.memory_space<hbm>> -> memref<25x2x512xi32, #tpu.memory_space<hbm>>
      %dma_start3A_200 = arith.constant 0 : i32
      %dma_start3A_201 = tpu.memref_slice %arg2[%mul3A_32, %dma_start3A_200, %mul3A_34] : memref<200x2x2048xi32, #tpu.memory_space<hbm>> -> memref<25x2x512xi32, #tpu.memory_space<hbm>>
      tpu.enqueue_dma source(%dma_start3A_201 : memref<25x2x512xi32, #tpu.memory_space<hbm>>) target(%arg5 : memref<25x2x512xi32, #tpu.memory_space<vmem>>) target_semaphore(%run_scoped3A : memref<!tpu.dma_semaphore, #tpu.memory_space<semaphore_mem>>)
      %dma_wait3A_202 = arith.constant 0 : i32
      %dma_wait3A_203 = tpu.memref_slice %arg2[%mul3A_32, %dma_wait3A_202, %mul3A_34] : memref<200x2x2048xi32, #tpu.memory_space<hbm>> -> memref<25x2x512xi32, #tpu.memory_space<hbm>>
      %dma_wait3A_204 = arith.constant 0 : i32
      %dma_wait3A_205 = tpu.memref_slice %arg2[%mul3A_32, %dma_wait3A_204, %mul3A_34] : memref<200x2x2048xi32, #tpu.memory_space<hbm>> -> memref<25x2x512xi32, #tpu.memory_space<hbm>>
      tpu.wait_dma2 semaphore(%run_scoped3A : memref<!tpu.dma_semaphore, #tpu.memory_space<semaphore_mem>>) src(%dma_wait3A_205 : memref<25x2x512xi32, #tpu.memory_space<hbm>>) dst(%arg5 : memref<25x2x512xi32, #tpu.memory_space<vmem>>)
      tpu.yield
    }) : () -> ()
    %dma_start3A = arith.constant 0 : i32
    %dma_start3A_35 = arith.constant 0 : i32
    %dma_start3A_36 = arith.constant 0 : i32
    %dma_start3A_37 = tpu.memref_slice %arg5[%dma_start3A, %dma_start3A_35, %dma_start3A_36] : memref<25x2x512xi32, #tpu.memory_space<vmem>> -> memref<1x1x256xi32, #tpu.memory_space<vmem>>
    %dma_start3A_38 = tpu.memref_squeeze %dma_start3A_37 : memref<1x1x256xi32, #tpu.memory_space<vmem>> -> memref<256xi32, #tpu.memory_space<vmem>>
    %dma_start3A_39 = arith.constant 0 : i32
    %dma_start3A_40 = arith.constant 0 : i32
    %dma_start3A_41 = tpu.memref_slice %arg3[%dma_start3A_39, %dma_start3A_40] : memref<1000000x64xf32, #tpu.memory_space<hbm>> -> memref<1000000x64xf32, #tpu.memory_space<hbm>>
    tpu.enqueue_indirect_dma source(%dma_start3A_41 : memref<1000000x64xf32, #tpu.memory_space<hbm>>) target(%arg6 : memref<256x64xf32, #tpu.memory_space<vmem>>) offsets(%dma_start3A_38 : memref<256xi32, #tpu.memory_space<vmem>>) semaphore(%arg12 : memref<!tpu.dma_semaphore, #tpu.memory_space<semaphore_mem>>)
    %dma_start3A_42 = arith.constant 0 : i32
    %dma_start3A_43 = arith.constant 1 : i32
    %dma_start3A_44 = arith.constant 0 : i32
    %dma_start3A_45 = tpu.memref_slice %arg5[%dma_start3A_42, %dma_start3A_43, %dma_start3A_44] : memref<25x2x512xi32, #tpu.memory_space<vmem>> -> memref<1x1x256xi32, #tpu.memory_space<vmem>>
    %dma_start3A_46 = tpu.memref_squeeze %dma_start3A_45 : memref<1x1x256xi32, #tpu.memory_space<vmem>> -> memref<256xi32, #tpu.memory_space<vmem>>
    %dma_start3A_47 = arith.constant 0 : i32
    %dma_start3A_48 = arith.constant 0 : i32
    %dma_start3A_49 = tpu.memref_slice %arg3[%dma_start3A_47, %dma_start3A_48] : memref<1000000x64xf32, #tpu.memory_space<hbm>> -> memref<1000000x64xf32, #tpu.memory_space<hbm>>
    tpu.enqueue_indirect_dma source(%dma_start3A_49 : memref<1000000x64xf32, #tpu.memory_space<hbm>>) target(%arg7 : memref<256x64xf32, #tpu.memory_space<vmem>>) offsets(%dma_start3A_46 : memref<256xi32, #tpu.memory_space<vmem>>) semaphore(%arg12 : memref<!tpu.dma_semaphore, #tpu.memory_space<semaphore_mem>>)
    %dma_start3A_50 = arith.constant 0 : i32
    %dma_start3A_51 = arith.constant 0 : i32
    %dma_start3A_52 = arith.constant 256 : i32
    %dma_start3A_53 = tpu.memref_slice %arg5[%dma_start3A_50, %dma_start3A_51, %dma_start3A_52] : memref<25x2x512xi32, #tpu.memory_space<vmem>> -> memref<1x1x256xi32, #tpu.memory_space<vmem>>
    %dma_start3A_54 = tpu.memref_squeeze %dma_start3A_53 : memref<1x1x256xi32, #tpu.memory_space<vmem>> -> memref<256xi32, #tpu.memory_space<vmem>>
    %dma_start3A_55 = arith.constant 0 : i32
    %dma_start3A_56 = arith.constant 0 : i32
    %dma_start3A_57 = tpu.memref_slice %arg3[%dma_start3A_55, %dma_start3A_56] : memref<1000000x64xf32, #tpu.memory_space<hbm>> -> memref<1000000x64xf32, #tpu.memory_space<hbm>>
    tpu.enqueue_indirect_dma source(%dma_start3A_57 : memref<1000000x64xf32, #tpu.memory_space<hbm>>) target(%arg8 : memref<256x64xf32, #tpu.memory_space<vmem>>) offsets(%dma_start3A_54 : memref<256xi32, #tpu.memory_space<vmem>>) semaphore(%arg13 : memref<!tpu.dma_semaphore, #tpu.memory_space<semaphore_mem>>)
    %dma_start3A_58 = arith.constant 0 : i32
    %dma_start3A_59 = arith.constant 1 : i32
    %dma_start3A_60 = arith.constant 256 : i32
    %dma_start3A_61 = tpu.memref_slice %arg5[%dma_start3A_58, %dma_start3A_59, %dma_start3A_60] : memref<25x2x512xi32, #tpu.memory_space<vmem>> -> memref<1x1x256xi32, #tpu.memory_space<vmem>>
    %dma_start3A_62 = tpu.memref_squeeze %dma_start3A_61 : memref<1x1x256xi32, #tpu.memory_space<vmem>> -> memref<256xi32, #tpu.memory_space<vmem>>
    %dma_start3A_63 = arith.constant 0 : i32
    %dma_start3A_64 = arith.constant 0 : i32
    %dma_start3A_65 = tpu.memref_slice %arg3[%dma_start3A_63, %dma_start3A_64] : memref<1000000x64xf32, #tpu.memory_space<hbm>> -> memref<1000000x64xf32, #tpu.memory_space<hbm>>
    tpu.enqueue_indirect_dma source(%dma_start3A_65 : memref<1000000x64xf32, #tpu.memory_space<hbm>>) target(%arg9 : memref<256x64xf32, #tpu.memory_space<vmem>>) offsets(%dma_start3A_62 : memref<256xi32, #tpu.memory_space<vmem>>) semaphore(%arg13 : memref<!tpu.dma_semaphore, #tpu.memory_space<semaphore_mem>>)
    %dma_start3A_66 = arith.constant 1 : i32
    %dma_start3A_67 = arith.constant 0 : i32
    %dma_start3A_68 = arith.constant 0 : i32
    %dma_start3A_69 = tpu.memref_slice %arg5[%dma_start3A_66, %dma_start3A_67, %dma_start3A_68] : memref<25x2x512xi32, #tpu.memory_space<vmem>> -> memref<1x1x256xi32, #tpu.memory_space<vmem>>
    %dma_start3A_70 = tpu.memref_squeeze %dma_start3A_69 : memref<1x1x256xi32, #tpu.memory_space<vmem>> -> memref<256xi32, #tpu.memory_space<vmem>>
    %dma_start3A_71 = arith.constant 0 : i32
    %dma_start3A_72 = arith.constant 0 : i32
    %dma_start3A_73 = tpu.memref_slice %arg3[%dma_start3A_71, %dma_start3A_72] : memref<1000000x64xf32, #tpu.memory_space<hbm>> -> memref<1000000x64xf32, #tpu.memory_space<hbm>>
    tpu.enqueue_indirect_dma source(%dma_start3A_73 : memref<1000000x64xf32, #tpu.memory_space<hbm>>) target(%arg10 : memref<256x64xf32, #tpu.memory_space<vmem>>) offsets(%dma_start3A_70 : memref<256xi32, #tpu.memory_space<vmem>>) semaphore(%arg14 : memref<!tpu.dma_semaphore, #tpu.memory_space<semaphore_mem>>)
    %dma_start3A_74 = arith.constant 1 : i32
    %dma_start3A_75 = arith.constant 1 : i32
    %dma_start3A_76 = arith.constant 0 : i32
    %dma_start3A_77 = tpu.memref_slice %arg5[%dma_start3A_74, %dma_start3A_75, %dma_start3A_76] : memref<25x2x512xi32, #tpu.memory_space<vmem>> -> memref<1x1x256xi32, #tpu.memory_space<vmem>>
    %dma_start3A_78 = tpu.memref_squeeze %dma_start3A_77 : memref<1x1x256xi32, #tpu.memory_space<vmem>> -> memref<256xi32, #tpu.memory_space<vmem>>
    %dma_start3A_79 = arith.constant 0 : i32
    %dma_start3A_80 = arith.constant 0 : i32
    %dma_start3A_81 = tpu.memref_slice %arg3[%dma_start3A_79, %dma_start3A_80] : memref<1000000x64xf32, #tpu.memory_space<hbm>> -> memref<1000000x64xf32, #tpu.memory_space<hbm>>
    tpu.enqueue_indirect_dma source(%dma_start3A_81 : memref<1000000x64xf32, #tpu.memory_space<hbm>>) target(%arg11 : memref<256x64xf32, #tpu.memory_space<vmem>>) offsets(%dma_start3A_78 : memref<256xi32, #tpu.memory_space<vmem>>) semaphore(%arg14 : memref<!tpu.dma_semaphore, #tpu.memory_space<semaphore_mem>>)
    %dma_wait3A = arith.constant 0 : i32
    %dma_wait3A_82 = arith.constant 0 : i32
    %dma_wait3A_83 = arith.constant 0 : i32
    %dma_wait3A_84 = tpu.memref_slice %arg5[%dma_wait3A, %dma_wait3A_82, %dma_wait3A_83] : memref<25x2x512xi32, #tpu.memory_space<vmem>> -> memref<1x1x256xi32, #tpu.memory_space<vmem>>
    %dma_wait3A_85 = tpu.memref_squeeze %dma_wait3A_84 : memref<1x1x256xi32, #tpu.memory_space<vmem>> -> memref<256xi32, #tpu.memory_space<vmem>>
    %dma_wait3A_86 = arith.constant 0 : i32
    %dma_wait3A_87 = arith.constant 0 : i32
    %dma_wait3A_88 = tpu.memref_slice %arg3[%dma_wait3A_86, %dma_wait3A_87] : memref<1000000x64xf32, #tpu.memory_space<hbm>> -> memref<1000000x64xf32, #tpu.memory_space<hbm>>
    tpu.wait_indirect_dma semaphore(%arg12 : memref<!tpu.dma_semaphore, #tpu.memory_space<semaphore_mem>>) src(%dma_wait3A_88 : memref<1000000x64xf32, #tpu.memory_space<hbm>>) dst(%arg6 : memref<256x64xf32, #tpu.memory_space<vmem>>)
    %dma_wait3A_89 = arith.constant 0 : i32
    %dma_wait3A_90 = arith.constant 1 : i32
    %dma_wait3A_91 = arith.constant 0 : i32
    %dma_wait3A_92 = tpu.memref_slice %arg5[%dma_wait3A_89, %dma_wait3A_90, %dma_wait3A_91] : memref<25x2x512xi32, #tpu.memory_space<vmem>> -> memref<1x1x256xi32, #tpu.memory_space<vmem>>
    %dma_wait3A_93 = tpu.memref_squeeze %dma_wait3A_92 : memref<1x1x256xi32, #tpu.memory_space<vmem>> -> memref<256xi32, #tpu.memory_space<vmem>>
    %dma_wait3A_94 = arith.constant 0 : i32
    %dma_wait3A_95 = arith.constant 0 : i32
    %dma_wait3A_96 = tpu.memref_slice %arg3[%dma_wait3A_94, %dma_wait3A_95] : memref<1000000x64xf32, #tpu.memory_space<hbm>> -> memref<1000000x64xf32, #tpu.memory_space<hbm>>
    tpu.wait_indirect_dma semaphore(%arg12 : memref<!tpu.dma_semaphore, #tpu.memory_space<semaphore_mem>>) src(%dma_wait3A_96 : memref<1000000x64xf32, #tpu.memory_space<hbm>>) dst(%arg7 : memref<256x64xf32, #tpu.memory_space<vmem>>)
    %add3A_97 = arith.constant 0 : i32
    %add3A_98 = arith.addi %mul3A_34, %add3A_97 : i32
    %add3A_99 = arith.constant 0 : i32
    %add3A_100 = arith.addi %mul3A_32, %add3A_99 : i32
    %dma_start3A_101 = arith.constant 0 : i32
    %dma_start3A_102 = tpu.memref_slice %arg4[%add3A_100, %add3A_98, %dma_start3A_101] : memref<200x2048x128xf32, #tpu.memory_space<hbm>> -> memref<1x256x64xf32, #tpu.memory_space<hbm>>
    %dma_start3A_103 = tpu.memref_squeeze %dma_start3A_102 : memref<1x256x64xf32, #tpu.memory_space<hbm>> -> memref<256x64xf32, #tpu.memory_space<hbm>>
    %dma_start3A_104 = arith.constant 0 : i32
    %dma_start3A_105 = tpu.memref_slice %arg4[%add3A_100, %add3A_98, %dma_start3A_104] : memref<200x2048x128xf32, #tpu.memory_space<hbm>> -> memref<1x256x64xf32, #tpu.memory_space<hbm>>
    %dma_start3A_106 = tpu.memref_squeeze %dma_start3A_105 : memref<1x256x64xf32, #tpu.memory_space<hbm>> -> memref<256x64xf32, #tpu.memory_space<hbm>>
    tpu.enqueue_dma source(%arg6 : memref<256x64xf32, #tpu.memory_space<vmem>>) target(%dma_start3A_106 : memref<256x64xf32, #tpu.memory_space<hbm>>) target_semaphore(%arg15 : memref<!tpu.dma_semaphore, #tpu.memory_space<semaphore_mem>>)
    %add3A_107 = arith.constant 0 : i32
    %add3A_108 = arith.addi %mul3A_34, %add3A_107 : i32
    %add3A_109 = arith.constant 0 : i32
    %add3A_110 = arith.addi %mul3A_32, %add3A_109 : i32
    %dma_start3A_111 = arith.constant 64 : i32
    %dma_start3A_112 = tpu.memref_slice %arg4[%add3A_110, %add3A_108, %dma_start3A_111] : memref<200x2048x128xf32, #tpu.memory_space<hbm>> -> memref<1x256x64xf32, #tpu.memory_space<hbm>>
    %dma_start3A_113 = tpu.memref_squeeze %dma_start3A_112 : memref<1x256x64xf32, #tpu.memory_space<hbm>> -> memref<256x64xf32, #tpu.memory_space<hbm>>
    %dma_start3A_114 = arith.constant 64 : i32
    %dma_start3A_115 = tpu.memref_slice %arg4[%add3A_110, %add3A_108, %dma_start3A_114] : memref<200x2048x128xf32, #tpu.memory_space<hbm>> -> memref<1x256x64xf32, #tpu.memory_space<hbm>>
    %dma_start3A_116 = tpu.memref_squeeze %dma_start3A_115 : memref<1x256x64xf32, #tpu.memory_space<hbm>> -> memref<256x64xf32, #tpu.memory_space<hbm>>
    tpu.enqueue_dma source(%arg7 : memref<256x64xf32, #tpu.memory_space<vmem>>) target(%dma_start3A_116 : memref<256x64xf32, #tpu.memory_space<hbm>>) target_semaphore(%arg15 : memref<!tpu.dma_semaphore, #tpu.memory_space<semaphore_mem>>)
    %scan3A = arith.constant 0 : i32
    %scan3A_117 = arith.constant 0 : i32
    %scan3A_118 = arith.constant 16 : i32
    %scan3A_119 = arith.addi %scan3A_117, %scan3A_118 : i32
    %scan3A_120 = arith.constant 1 : i32
    scf.for %scan3A_198 = %scan3A_117 to %scan3A_119 step %scan3A_120  : i32 {
      %mul3A_199 = arith.constant 3 : i32
      %mul3A_200 = arith.muli %mul3A_199, %scan3A_198 : i32
      %add3A_201 = arith.constant 1 : i32
      %add3A_202 = arith.addi %mul3A_200, %add3A_201 : i32
      %add3A_203 = arith.constant 0 : i32
      %add3A_204 = arith.addi %add3A_202, %add3A_203 : i32
      %sub3A_205 = arith.constant 1 : i32
      %sub3A_206 = arith.subi %add3A_204, %sub3A_205 : i32
      %jit3A_207 = arith.constant 2 : i32
      %div3A_208 = arith.divsi %sub3A_206, %jit3A_207 : i32
      %sign3A_209 = arith.constant 0 : i32
      %sign3A_210 = arith.cmpi sgt, %sub3A_206, %sign3A_209 : i32
      %sign3A_211 = arith.extui %sign3A_210 : i1 to i32
      %sign3A_212 = arith.constant 0 : i32
      %sign3A_213 = arith.cmpi slt, %sub3A_206, %sign3A_212 : i32
      %sign3A_214 = arith.extui %sign3A_213 : i1 to i32
      %sign3A_215 = arith.subi %sign3A_211, %sign3A_214 : i32
      %sign3A_216 = arith.constant 0 : i32
      %sign3A_217 = arith.cmpi sgt, %jit3A_207, %sign3A_216 : i32
      %sign3A_218 = arith.extui %sign3A_217 : i1 to i32
      %sign3A_219 = arith.constant 0 : i32
      %sign3A_220 = arith.cmpi slt, %jit3A_207, %sign3A_219 : i32
      %sign3A_221 = arith.extui %sign3A_220 : i1 to i32
      %sign3A_222 = arith.subi %sign3A_218, %sign3A_221 : i32
      %ne3A_223 = arith.cmpi ne, %sign3A_215, %sign3A_222 : i32
      %rem3A_224 = arith.remsi %sub3A_206, %jit3A_207 : i32
      %ne3A_225 = arith.constant 0 : i32
      %ne3A_226 = arith.cmpi ne, %rem3A_224, %ne3A_225 : i32
      %and3A_227 = arith.andi %ne3A_223, %ne3A_226 : i1
      %sub3A_228 = arith.constant 1 : i32
      %sub3A_229 = arith.subi %div3A_208, %sub3A_228 : i32
      %select_n3A_230 = arith.select %and3A_227, %sub3A_229, %div3A_208 : i32
      %jit3A_231 = arith.constant 2 : i32
      %eq3A_232 = arith.constant 0 : i32
      %eq3A_233 = arith.cmpi eq, %jit3A_231, %eq3A_232 : i32
      %jit3A_234 = arith.constant 1 : i32
      %select_n3A_235 = arith.select %eq3A_233, %jit3A_234, %jit3A_231 : i32
      %rem3A_236 = arith.remsi %sub3A_206, %select_n3A_235 : i32
      %ne3A_237 = arith.constant 0 : i32
      %ne3A_238 = arith.cmpi ne, %rem3A_236, %ne3A_237 : i32
      %lt3A_239 = arith.constant 0 : i32
      %lt3A_240 = arith.cmpi slt, %rem3A_236, %lt3A_239 : i32
      %lt3A_241 = arith.constant 0 : i32
      %lt3A_242 = arith.cmpi slt, %select_n3A_235, %lt3A_241 : i32
      %ne3A_243 = arith.xori %lt3A_240, %lt3A_242 : i1
      %and3A_244 = arith.andi %ne3A_243, %ne3A_238 : i1
      %add3A_245 = arith.addi %rem3A_236, %select_n3A_235 : i32
      %select_n3A_246 = arith.select %and3A_244, %add3A_245, %rem3A_236 : i32
      %mul3A_247 = arith.constant 256 : i32
      %mul3A_248 = arith.muli %select_n3A_246, %mul3A_247 : i32
      %add3A_249 = arith.addi %mul3A_34, %mul3A_248 : i32
      %add3A_250 = arith.addi %mul3A_32, %select_n3A_230 : i32
      %dma_wait3A_251 = arith.constant 0 : i32
      %dma_wait3A_252 = tpu.memref_slice %arg4[%add3A_250, %add3A_249, %dma_wait3A_251] : memref<200x2048x128xf32, #tpu.memory_space<hbm>> -> memref<1x256x64xf32, #tpu.memory_space<hbm>>
      %dma_wait3A_253 = tpu.memref_squeeze %dma_wait3A_252 : memref<1x256x64xf32, #tpu.memory_space<hbm>> -> memref<256x64xf32, #tpu.memory_space<hbm>>
      %dma_wait3A_254 = arith.constant 0 : i32
      %dma_wait3A_255 = tpu.memref_slice %arg4[%add3A_250, %add3A_249, %dma_wait3A_254] : memref<200x2048x128xf32, #tpu.memory_space<hbm>> -> memref<1x256x64xf32, #tpu.memory_space<hbm>>
      %dma_wait3A_256 = tpu.memref_squeeze %dma_wait3A_255 : memref<1x256x64xf32, #tpu.memory_space<hbm>> -> memref<256x64xf32, #tpu.memory_space<hbm>>
      tpu.wait_dma2 semaphore(%arg15 : memref<!tpu.dma_semaphore, #tpu.memory_space<semaphore_mem>>) src(%arg6 : memref<256x64xf32, #tpu.memory_space<vmem>>) dst(%dma_wait3A_256 : memref<256x64xf32, #tpu.memory_space<hbm>>)
      %jit3A_257 = arith.constant 2 : i32
      %div3A_258 = arith.divsi %sub3A_206, %jit3A_257 : i32
      %sign3A_259 = arith.constant 0 : i32
      %sign3A_260 = arith.cmpi sgt, %sub3A_206, %sign3A_259 : i32
      %sign3A_261 = arith.extui %sign3A_260 : i1 to i32
      %sign3A_262 = arith.constant 0 : i32
      %sign3A_263 = arith.cmpi slt, %sub3A_206, %sign3A_262 : i32
      %sign3A_264 = arith.extui %sign3A_263 : i1 to i32
      %sign3A_265 = arith.subi %sign3A_261, %sign3A_264 : i32
      %sign3A_266 = arith.constant 0 : i32
      %sign3A_267 = arith.cmpi sgt, %jit3A_257, %sign3A_266 : i32
      %sign3A_268 = arith.extui %sign3A_267 : i1 to i32
      %sign3A_269 = arith.constant 0 : i32
      %sign3A_270 = arith.cmpi slt, %jit3A_257, %sign3A_269 : i32
      %sign3A_271 = arith.extui %sign3A_270 : i1 to i32
      %sign3A_272 = arith.subi %sign3A_268, %sign3A_271 : i32
      %ne3A_273 = arith.cmpi ne, %sign3A_265, %sign3A_272 : i32
      %rem3A_274 = arith.remsi %sub3A_206, %jit3A_257 : i32
      %ne3A_275 = arith.constant 0 : i32
      %ne3A_276 = arith.cmpi ne, %rem3A_274, %ne3A_275 : i32
      %and3A_277 = arith.andi %ne3A_273, %ne3A_276 : i1
      %sub3A_278 = arith.constant 1 : i32
      %sub3A_279 = arith.subi %div3A_258, %sub3A_278 : i32
      %select_n3A_280 = arith.select %and3A_277, %sub3A_279, %div3A_258 : i32
      %jit3A_281 = arith.constant 2 : i32
      %eq3A_282 = arith.constant 0 : i32
      %eq3A_283 = arith.cmpi eq, %jit3A_281, %eq3A_282 : i32
      %jit3A_284 = arith.constant 1 : i32
      %select_n3A_285 = arith.select %eq3A_283, %jit3A_284, %jit3A_281 : i32
      %rem3A_286 = arith.remsi %sub3A_206, %select_n3A_285 : i32
      %ne3A_287 = arith.constant 0 : i32
      %ne3A_288 = arith.cmpi ne, %rem3A_286, %ne3A_287 : i32
      %lt3A_289 = arith.constant 0 : i32
      %lt3A_290 = arith.cmpi slt, %rem3A_286, %lt3A_289 : i32
      %lt3A_291 = arith.constant 0 : i32
      %lt3A_292 = arith.cmpi slt, %select_n3A_285, %lt3A_291 : i32
      %ne3A_293 = arith.xori %lt3A_290, %lt3A_292 : i1
      %and3A_294 = arith.andi %ne3A_293, %ne3A_288 : i1
      %add3A_295 = arith.addi %rem3A_286, %select_n3A_285 : i32
      %select_n3A_296 = arith.select %and3A_294, %add3A_295, %rem3A_286 : i32
      %mul3A_297 = arith.constant 256 : i32
      %mul3A_298 = arith.muli %select_n3A_296, %mul3A_297 : i32
      %add3A_299 = arith.addi %mul3A_34, %mul3A_298 : i32
      %add3A_300 = arith.addi %mul3A_32, %select_n3A_280 : i32
      %dma_wait3A_301 = arith.constant 64 : i32
      %dma_wait3A_302 = tpu.memref_slice %arg4[%add3A_300, %add3A_299, %dma_wait3A_301] : memref<200x2048x128xf32, #tpu.memory_space<hbm>> -> memref<1x256x64xf32, #tpu.memory_space<hbm>>
      %dma_wait3A_303 = tpu.memref_squeeze %dma_wait3A_302 : memref<1x256x64xf32, #tpu.memory_space<hbm>> -> memref<256x64xf32, #tpu.memory_space<hbm>>
      %dma_wait3A_304 = arith.constant 64 : i32
      %dma_wait3A_305 = tpu.memref_slice %arg4[%add3A_300, %add3A_299, %dma_wait3A_304] : memref<200x2048x128xf32, #tpu.memory_space<hbm>> -> memref<1x256x64xf32, #tpu.memory_space<hbm>>
      %dma_wait3A_306 = tpu.memref_squeeze %dma_wait3A_305 : memref<1x256x64xf32, #tpu.memory_space<hbm>> -> memref<256x64xf32, #tpu.memory_space<hbm>>
      tpu.wait_dma2 semaphore(%arg15 : memref<!tpu.dma_semaphore, #tpu.memory_space<semaphore_mem>>) src(%arg7 : memref<256x64xf32, #tpu.memory_space<vmem>>) dst(%dma_wait3A_306 : memref<256x64xf32, #tpu.memory_space<hbm>>)
      %add3A_307 = arith.constant 3 : i32
      %add3A_308 = arith.addi %add3A_204, %add3A_307 : i32
      %sub3A_309 = arith.constant 1 : i32
      %sub3A_310 = arith.subi %add3A_308, %sub3A_309 : i32
      %le3A = arith.constant 49 : i32
      %le3A_311 = arith.cmpi sle, %sub3A_310, %le3A : i32
      %convert_element_type3A = arith.extui %le3A_311 : i1 to i32
      %cond3A = arith.constant 0 : i32
      %cond3A_312 = arith.cmpi ne, %convert_element_type3A, %cond3A : i32
      scf.if %cond3A_312 {
        %jit3A_1135 = arith.constant 2 : i32
        %div3A_1136 = arith.divsi %sub3A_310, %jit3A_1135 : i32
        %sign3A_1137 = arith.constant 0 : i32
        %sign3A_1138 = arith.cmpi sgt, %sub3A_310, %sign3A_1137 : i32
        %sign3A_1139 = arith.extui %sign3A_1138 : i1 to i32
        %sign3A_1140 = arith.constant 0 : i32
        %sign3A_1141 = arith.cmpi slt, %sub3A_310, %sign3A_1140 : i32
        %sign3A_1142 = arith.extui %sign3A_1141 : i1 to i32
        %sign3A_1143 = arith.subi %sign3A_1139, %sign3A_1142 : i32
        %sign3A_1144 = arith.constant 0 : i32
        %sign3A_1145 = arith.cmpi sgt, %jit3A_1135, %sign3A_1144 : i32
        %sign3A_1146 = arith.extui %sign3A_1145 : i1 to i32
        %sign3A_1147 = arith.constant 0 : i32
        %sign3A_1148 = arith.cmpi slt, %jit3A_1135, %sign3A_1147 : i32
        %sign3A_1149 = arith.extui %sign3A_1148 : i1 to i32
        %sign3A_1150 = arith.subi %sign3A_1146, %sign3A_1149 : i32
        %ne3A_1151 = arith.cmpi ne, %sign3A_1143, %sign3A_1150 : i32
        %rem3A_1152 = arith.remsi %sub3A_310, %jit3A_1135 : i32
        %ne3A_1153 = arith.constant 0 : i32
        %ne3A_1154 = arith.cmpi ne, %rem3A_1152, %ne3A_1153 : i32
        %and3A_1155 = arith.andi %ne3A_1151, %ne3A_1154 : i1
        %sub3A_1156 = arith.constant 1 : i32
        %sub3A_1157 = arith.subi %div3A_1136, %sub3A_1156 : i32
        %select_n3A_1158 = arith.select %and3A_1155, %sub3A_1157, %div3A_1136 : i32
        %jit3A_1159 = arith.constant 2 : i32
        %eq3A_1160 = arith.constant 0 : i32
        %eq3A_1161 = arith.cmpi eq, %jit3A_1159, %eq3A_1160 : i32
        %jit3A_1162 = arith.constant 1 : i32
        %select_n3A_1163 = arith.select %eq3A_1161, %jit3A_1162, %jit3A_1159 : i32
        %rem3A_1164 = arith.remsi %sub3A_310, %select_n3A_1163 : i32
        %ne3A_1165 = arith.constant 0 : i32
        %ne3A_1166 = arith.cmpi ne, %rem3A_1164, %ne3A_1165 : i32
        %lt3A_1167 = arith.constant 0 : i32
        %lt3A_1168 = arith.cmpi slt, %rem3A_1164, %lt3A_1167 : i32
        %lt3A_1169 = arith.constant 0 : i32
        %lt3A_1170 = arith.cmpi slt, %select_n3A_1163, %lt3A_1169 : i32
        %ne3A_1171 = arith.xori %lt3A_1168, %lt3A_1170 : i1
        %and3A_1172 = arith.andi %ne3A_1171, %ne3A_1166 : i1
        %add3A_1173 = arith.addi %rem3A_1164, %select_n3A_1163 : i32
        %select_n3A_1174 = arith.select %and3A_1172, %add3A_1173, %rem3A_1164 : i32
        %mul3A_1175 = arith.constant 256 : i32
        %mul3A_1176 = arith.muli %select_n3A_1174, %mul3A_1175 : i32
        %dma_start3A_1177 = arith.constant 0 : i32
        %dma_start3A_1178 = tpu.memref_slice %arg5[%select_n3A_1158, %dma_start3A_1177, %mul3A_1176] : memref<25x2x512xi32, #tpu.memory_space<vmem>> -> memref<1x1x256xi32, #tpu.memory_space<vmem>>
        %dma_start3A_1179 = tpu.memref_squeeze %dma_start3A_1178 : memref<1x1x256xi32, #tpu.memory_space<vmem>> -> memref<256xi32, #tpu.memory_space<vmem>>
        %dma_start3A_1180 = arith.constant 0 : i32
        %dma_start3A_1181 = arith.constant 0 : i32
        %dma_start3A_1182 = tpu.memref_slice %arg3[%dma_start3A_1180, %dma_start3A_1181] : memref<1000000x64xf32, #tpu.memory_space<hbm>> -> memref<1000000x64xf32, #tpu.memory_space<hbm>>
        tpu.enqueue_indirect_dma source(%dma_start3A_1182 : memref<1000000x64xf32, #tpu.memory_space<hbm>>) target(%arg6 : memref<256x64xf32, #tpu.memory_space<vmem>>) offsets(%dma_start3A_1179 : memref<256xi32, #tpu.memory_space<vmem>>) semaphore(%arg12 : memref<!tpu.dma_semaphore, #tpu.memory_space<semaphore_mem>>)
        %jit3A_1183 = arith.constant 2 : i32
        %div3A_1184 = arith.divsi %sub3A_310, %jit3A_1183 : i32
        %sign3A_1185 = arith.constant 0 : i32
        %sign3A_1186 = arith.cmpi sgt, %sub3A_310, %sign3A_1185 : i32
        %sign3A_1187 = arith.extui %sign3A_1186 : i1 to i32
        %sign3A_1188 = arith.constant 0 : i32
        %sign3A_1189 = arith.cmpi slt, %sub3A_310, %sign3A_1188 : i32
        %sign3A_1190 = arith.extui %sign3A_1189 : i1 to i32
        %sign3A_1191 = arith.subi %sign3A_1187, %sign3A_1190 : i32
        %sign3A_1192 = arith.constant 0 : i32
        %sign3A_1193 = arith.cmpi sgt, %jit3A_1183, %sign3A_1192 : i32
        %sign3A_1194 = arith.extui %sign3A_1193 : i1 to i32
        %sign3A_1195 = arith.constant 0 : i32
        %sign3A_1196 = arith.cmpi slt, %jit3A_1183, %sign3A_1195 : i32
        %sign3A_1197 = arith.extui %sign3A_1196 : i1 to i32
        %sign3A_1198 = arith.subi %sign3A_1194, %sign3A_1197 : i32
        %ne3A_1199 = arith.cmpi ne, %sign3A_1191, %sign3A_1198 : i32
        %rem3A_1200 = arith.remsi %sub3A_310, %jit3A_1183 : i32
        %ne3A_1201 = arith.constant 0 : i32
        %ne3A_1202 = arith.cmpi ne, %rem3A_1200, %ne3A_1201 : i32
        %and3A_1203 = arith.andi %ne3A_1199, %ne3A_1202 : i1
        %sub3A_1204 = arith.constant 1 : i32
        %sub3A_1205 = arith.subi %div3A_1184, %sub3A_1204 : i32
        %select_n3A_1206 = arith.select %and3A_1203, %sub3A_1205, %div3A_1184 : i32
        %jit3A_1207 = arith.constant 2 : i32
        %eq3A_1208 = arith.constant 0 : i32
        %eq3A_1209 = arith.cmpi eq, %jit3A_1207, %eq3A_1208 : i32
        %jit3A_1210 = arith.constant 1 : i32
        %select_n3A_1211 = arith.select %eq3A_1209, %jit3A_1210, %jit3A_1207 : i32
        %rem3A_1212 = arith.remsi %sub3A_310, %select_n3A_1211 : i32
        %ne3A_1213 = arith.constant 0 : i32
        %ne3A_1214 = arith.cmpi ne, %rem3A_1212, %ne3A_1213 : i32
        %lt3A_1215 = arith.constant 0 : i32
        %lt3A_1216 = arith.cmpi slt, %rem3A_1212, %lt3A_1215 : i32
        %lt3A_1217 = arith.constant 0 : i32
        %lt3A_1218 = arith.cmpi slt, %select_n3A_1211, %lt3A_1217 : i32
        %ne3A_1219 = arith.xori %lt3A_1216, %lt3A_1218 : i1
        %and3A_1220 = arith.andi %ne3A_1219, %ne3A_1214 : i1
        %add3A_1221 = arith.addi %rem3A_1212, %select_n3A_1211 : i32
        %select_n3A_1222 = arith.select %and3A_1220, %add3A_1221, %rem3A_1212 : i32
        %mul3A_1223 = arith.constant 256 : i32
        %mul3A_1224 = arith.muli %select_n3A_1222, %mul3A_1223 : i32
        %dma_start3A_1225 = arith.constant 1 : i32
        %dma_start3A_1226 = tpu.memref_slice %arg5[%select_n3A_1206, %dma_start3A_1225, %mul3A_1224] : memref<25x2x512xi32, #tpu.memory_space<vmem>> -> memref<1x1x256xi32, #tpu.memory_space<vmem>>
        %dma_start3A_1227 = tpu.memref_squeeze %dma_start3A_1226 : memref<1x1x256xi32, #tpu.memory_space<vmem>> -> memref<256xi32, #tpu.memory_space<vmem>>
        %dma_start3A_1228 = arith.constant 0 : i32
        %dma_start3A_1229 = arith.constant 0 : i32
        %dma_start3A_1230 = tpu.memref_slice %arg3[%dma_start3A_1228, %dma_start3A_1229] : memref<1000000x64xf32, #tpu.memory_space<hbm>> -> memref<1000000x64xf32, #tpu.memory_space<hbm>>
        tpu.enqueue_indirect_dma source(%dma_start3A_1230 : memref<1000000x64xf32, #tpu.memory_space<hbm>>) target(%arg7 : memref<256x64xf32, #tpu.memory_space<vmem>>) offsets(%dma_start3A_1227 : memref<256xi32, #tpu.memory_space<vmem>>) semaphore(%arg12 : memref<!tpu.dma_semaphore, #tpu.memory_space<semaphore_mem>>)
      } else {
      }
      %jit3A_313 = arith.constant 2 : i32
      %div3A_314 = arith.divsi %add3A_204, %jit3A_313 : i32
      %sign3A_315 = arith.constant 0 : i32
      %sign3A_316 = arith.cmpi sgt, %add3A_204, %sign3A_315 : i32
      %sign3A_317 = arith.extui %sign3A_316 : i1 to i32
      %sign3A_318 = arith.constant 0 : i32
      %sign3A_319 = arith.cmpi slt, %add3A_204, %sign3A_318 : i32
      %sign3A_320 = arith.extui %sign3A_319 : i1 to i32
      %sign3A_321 = arith.subi %sign3A_317, %sign3A_320 : i32
      %sign3A_322 = arith.constant 0 : i32
      %sign3A_323 = arith.cmpi sgt, %jit3A_313, %sign3A_322 : i32
      %sign3A_324 = arith.extui %sign3A_323 : i1 to i32
      %sign3A_325 = arith.constant 0 : i32
      %sign3A_326 = arith.cmpi slt, %jit3A_313, %sign3A_325 : i32
      %sign3A_327 = arith.extui %sign3A_326 : i1 to i32
      %sign3A_328 = arith.subi %sign3A_324, %sign3A_327 : i32
      %ne3A_329 = arith.cmpi ne, %sign3A_321, %sign3A_328 : i32
      %rem3A_330 = arith.remsi %add3A_204, %jit3A_313 : i32
      %ne3A_331 = arith.constant 0 : i32
      %ne3A_332 = arith.cmpi ne, %rem3A_330, %ne3A_331 : i32
      %and3A_333 = arith.andi %ne3A_329, %ne3A_332 : i1
      %sub3A_334 = arith.constant 1 : i32
      %sub3A_335 = arith.subi %div3A_314, %sub3A_334 : i32
      %select_n3A_336 = arith.select %and3A_333, %sub3A_335, %div3A_314 : i32
      %jit3A_337 = arith.constant 2 : i32
      %eq3A_338 = arith.constant 0 : i32
      %eq3A_339 = arith.cmpi eq, %jit3A_337, %eq3A_338 : i32
      %jit3A_340 = arith.constant 1 : i32
      %select_n3A_341 = arith.select %eq3A_339, %jit3A_340, %jit3A_337 : i32
      %rem3A_342 = arith.remsi %add3A_204, %select_n3A_341 : i32
      %ne3A_343 = arith.constant 0 : i32
      %ne3A_344 = arith.cmpi ne, %rem3A_342, %ne3A_343 : i32
      %lt3A_345 = arith.constant 0 : i32
      %lt3A_346 = arith.cmpi slt, %rem3A_342, %lt3A_345 : i32
      %lt3A_347 = arith.constant 0 : i32
      %lt3A_348 = arith.cmpi slt, %select_n3A_341, %lt3A_347 : i32
      %ne3A_349 = arith.xori %lt3A_346, %lt3A_348 : i1
      %and3A_350 = arith.andi %ne3A_349, %ne3A_344 : i1
      %add3A_351 = arith.addi %rem3A_342, %select_n3A_341 : i32
      %select_n3A_352 = arith.select %and3A_350, %add3A_351, %rem3A_342 : i32
      %mul3A_353 = arith.constant 256 : i32
      %mul3A_354 = arith.muli %select_n3A_352, %mul3A_353 : i32
      %dma_wait3A_355 = arith.constant 0 : i32
      %dma_wait3A_356 = tpu.memref_slice %arg5[%select_n3A_336, %dma_wait3A_355, %mul3A_354] : memref<25x2x512xi32, #tpu.memory_space<vmem>> -> memref<1x1x256xi32, #tpu.memory_space<vmem>>
      %dma_wait3A_357 = tpu.memref_squeeze %dma_wait3A_356 : memref<1x1x256xi32, #tpu.memory_space<vmem>> -> memref<256xi32, #tpu.memory_space<vmem>>
      %dma_wait3A_358 = arith.constant 0 : i32
      %dma_wait3A_359 = arith.constant 0 : i32
      %dma_wait3A_360 = tpu.memref_slice %arg3[%dma_wait3A_358, %dma_wait3A_359] : memref<1000000x64xf32, #tpu.memory_space<hbm>> -> memref<1000000x64xf32, #tpu.memory_space<hbm>>
      tpu.wait_indirect_dma semaphore(%arg13 : memref<!tpu.dma_semaphore, #tpu.memory_space<semaphore_mem>>) src(%dma_wait3A_360 : memref<1000000x64xf32, #tpu.memory_space<hbm>>) dst(%arg8 : memref<256x64xf32, #tpu.memory_space<vmem>>)
      %jit3A_361 = arith.constant 2 : i32
      %div3A_362 = arith.divsi %add3A_204, %jit3A_361 : i32
      %sign3A_363 = arith.constant 0 : i32
      %sign3A_364 = arith.cmpi sgt, %add3A_204, %sign3A_363 : i32
      %sign3A_365 = arith.extui %sign3A_364 : i1 to i32
      %sign3A_366 = arith.constant 0 : i32
      %sign3A_367 = arith.cmpi slt, %add3A_204, %sign3A_366 : i32
      %sign3A_368 = arith.extui %sign3A_367 : i1 to i32
      %sign3A_369 = arith.subi %sign3A_365, %sign3A_368 : i32
      %sign3A_370 = arith.constant 0 : i32
      %sign3A_371 = arith.cmpi sgt, %jit3A_361, %sign3A_370 : i32
      %sign3A_372 = arith.extui %sign3A_371 : i1 to i32
      %sign3A_373 = arith.constant 0 : i32
      %sign3A_374 = arith.cmpi slt, %jit3A_361, %sign3A_373 : i32
      %sign3A_375 = arith.extui %sign3A_374 : i1 to i32
      %sign3A_376 = arith.subi %sign3A_372, %sign3A_375 : i32
      %ne3A_377 = arith.cmpi ne, %sign3A_369, %sign3A_376 : i32
      %rem3A_378 = arith.remsi %add3A_204, %jit3A_361 : i32
      %ne3A_379 = arith.constant 0 : i32
      %ne3A_380 = arith.cmpi ne, %rem3A_378, %ne3A_379 : i32
      %and3A_381 = arith.andi %ne3A_377, %ne3A_380 : i1
      %sub3A_382 = arith.constant 1 : i32
      %sub3A_383 = arith.subi %div3A_362, %sub3A_382 : i32
      %select_n3A_384 = arith.select %and3A_381, %sub3A_383, %div3A_362 : i32
      %jit3A_385 = arith.constant 2 : i32
      %eq3A_386 = arith.constant 0 : i32
      %eq3A_387 = arith.cmpi eq, %jit3A_385, %eq3A_386 : i32
      %jit3A_388 = arith.constant 1 : i32
      %select_n3A_389 = arith.select %eq3A_387, %jit3A_388, %jit3A_385 : i32
      %rem3A_390 = arith.remsi %add3A_204, %select_n3A_389 : i32
      %ne3A_391 = arith.constant 0 : i32
      %ne3A_392 = arith.cmpi ne, %rem3A_390, %ne3A_391 : i32
      %lt3A_393 = arith.constant 0 : i32
      %lt3A_394 = arith.cmpi slt, %rem3A_390, %lt3A_393 : i32
      %lt3A_395 = arith.constant 0 : i32
      %lt3A_396 = arith.cmpi slt, %select_n3A_389, %lt3A_395 : i32
      %ne3A_397 = arith.xori %lt3A_394, %lt3A_396 : i1
      %and3A_398 = arith.andi %ne3A_397, %ne3A_392 : i1
      %add3A_399 = arith.addi %rem3A_390, %select_n3A_389 : i32
      %select_n3A_400 = arith.select %and3A_398, %add3A_399, %rem3A_390 : i32
      %mul3A_401 = arith.constant 256 : i32
      %mul3A_402 = arith.muli %select_n3A_400, %mul3A_401 : i32
      %dma_wait3A_403 = arith.constant 1 : i32
      %dma_wait3A_404 = tpu.memref_slice %arg5[%select_n3A_384, %dma_wait3A_403, %mul3A_402] : memref<25x2x512xi32, #tpu.memory_space<vmem>> -> memref<1x1x256xi32, #tpu.memory_space<vmem>>
      %dma_wait3A_405 = tpu.memref_squeeze %dma_wait3A_404 : memref<1x1x256xi32, #tpu.memory_space<vmem>> -> memref<256xi32, #tpu.memory_space<vmem>>
      %dma_wait3A_406 = arith.constant 0 : i32
      %dma_wait3A_407 = arith.constant 0 : i32
      %dma_wait3A_408 = tpu.memref_slice %arg3[%dma_wait3A_406, %dma_wait3A_407] : memref<1000000x64xf32, #tpu.memory_space<hbm>> -> memref<1000000x64xf32, #tpu.memory_space<hbm>>
      tpu.wait_indirect_dma semaphore(%arg13 : memref<!tpu.dma_semaphore, #tpu.memory_space<semaphore_mem>>) src(%dma_wait3A_408 : memref<1000000x64xf32, #tpu.memory_space<hbm>>) dst(%arg9 : memref<256x64xf32, #tpu.memory_space<vmem>>)
      %jit3A_409 = arith.constant 2 : i32
      %div3A_410 = arith.divsi %add3A_204, %jit3A_409 : i32
      %sign3A_411 = arith.constant 0 : i32
      %sign3A_412 = arith.cmpi sgt, %add3A_204, %sign3A_411 : i32
      %sign3A_413 = arith.extui %sign3A_412 : i1 to i32
      %sign3A_414 = arith.constant 0 : i32
      %sign3A_415 = arith.cmpi slt, %add3A_204, %sign3A_414 : i32
      %sign3A_416 = arith.extui %sign3A_415 : i1 to i32
      %sign3A_417 = arith.subi %sign3A_413, %sign3A_416 : i32
      %sign3A_418 = arith.constant 0 : i32
      %sign3A_419 = arith.cmpi sgt, %jit3A_409, %sign3A_418 : i32
      %sign3A_420 = arith.extui %sign3A_419 : i1 to i32
      %sign3A_421 = arith.constant 0 : i32
      %sign3A_422 = arith.cmpi slt, %jit3A_409, %sign3A_421 : i32
      %sign3A_423 = arith.extui %sign3A_422 : i1 to i32
      %sign3A_424 = arith.subi %sign3A_420, %sign3A_423 : i32
      %ne3A_425 = arith.cmpi ne, %sign3A_417, %sign3A_424 : i32
      %rem3A_426 = arith.remsi %add3A_204, %jit3A_409 : i32
      %ne3A_427 = arith.constant 0 : i32
      %ne3A_428 = arith.cmpi ne, %rem3A_426, %ne3A_427 : i32
      %and3A_429 = arith.andi %ne3A_425, %ne3A_428 : i1
      %sub3A_430 = arith.constant 1 : i32
      %sub3A_431 = arith.subi %div3A_410, %sub3A_430 : i32
      %select_n3A_432 = arith.select %and3A_429, %sub3A_431, %div3A_410 : i32
      %jit3A_433 = arith.constant 2 : i32
      %eq3A_434 = arith.constant 0 : i32
      %eq3A_435 = arith.cmpi eq, %jit3A_433, %eq3A_434 : i32
      %jit3A_436 = arith.constant 1 : i32
      %select_n3A_437 = arith.select %eq3A_435, %jit3A_436, %jit3A_433 : i32
      %rem3A_438 = arith.remsi %add3A_204, %select_n3A_437 : i32
      %ne3A_439 = arith.constant 0 : i32
      %ne3A_440 = arith.cmpi ne, %rem3A_438, %ne3A_439 : i32
      %lt3A_441 = arith.constant 0 : i32
      %lt3A_442 = arith.cmpi slt, %rem3A_438, %lt3A_441 : i32
      %lt3A_443 = arith.constant 0 : i32
      %lt3A_444 = arith.cmpi slt, %select_n3A_437, %lt3A_443 : i32
      %ne3A_445 = arith.xori %lt3A_442, %lt3A_444 : i1
      %and3A_446 = arith.andi %ne3A_445, %ne3A_440 : i1
      %add3A_447 = arith.addi %rem3A_438, %select_n3A_437 : i32
      %select_n3A_448 = arith.select %and3A_446, %add3A_447, %rem3A_438 : i32
      %mul3A_449 = arith.constant 256 : i32
      %mul3A_450 = arith.muli %select_n3A_448, %mul3A_449 : i32
      %add3A_451 = arith.addi %mul3A_34, %mul3A_450 : i32
      %add3A_452 = arith.addi %mul3A_32, %select_n3A_432 : i32
      %dma_start3A_453 = arith.constant 0 : i32
      %dma_start3A_454 = tpu.memref_slice %arg4[%add3A_452, %add3A_451, %dma_start3A_453] : memref<200x2048x128xf32, #tpu.memory_space<hbm>> -> memref<1x256x64xf32, #tpu.memory_space<hbm>>
      %dma_start3A_455 = tpu.memref_squeeze %dma_start3A_454 : memref<1x256x64xf32, #tpu.memory_space<hbm>> -> memref<256x64xf32, #tpu.memory_space<hbm>>
      %dma_start3A_456 = arith.constant 0 : i32
      %dma_start3A_457 = tpu.memref_slice %arg4[%add3A_452, %add3A_451, %dma_start3A_456] : memref<200x2048x128xf32, #tpu.memory_space<hbm>> -> memref<1x256x64xf32, #tpu.memory_space<hbm>>
      %dma_start3A_458 = tpu.memref_squeeze %dma_start3A_457 : memref<1x256x64xf32, #tpu.memory_space<hbm>> -> memref<256x64xf32, #tpu.memory_space<hbm>>
      tpu.enqueue_dma source(%arg8 : memref<256x64xf32, #tpu.memory_space<vmem>>) target(%dma_start3A_458 : memref<256x64xf32, #tpu.memory_space<hbm>>) target_semaphore(%arg16 : memref<!tpu.dma_semaphore, #tpu.memory_space<semaphore_mem>>)
      %jit3A_459 = arith.constant 2 : i32
      %div3A_460 = arith.divsi %add3A_204, %jit3A_459 : i32
      %sign3A_461 = arith.constant 0 : i32
      %sign3A_462 = arith.cmpi sgt, %add3A_204, %sign3A_461 : i32
      %sign3A_463 = arith.extui %sign3A_462 : i1 to i32
      %sign3A_464 = arith.constant 0 : i32
      %sign3A_465 = arith.cmpi slt, %add3A_204, %sign3A_464 : i32
      %sign3A_466 = arith.extui %sign3A_465 : i1 to i32
      %sign3A_467 = arith.subi %sign3A_463, %sign3A_466 : i32
      %sign3A_468 = arith.constant 0 : i32
      %sign3A_469 = arith.cmpi sgt, %jit3A_459, %sign3A_468 : i32
      %sign3A_470 = arith.extui %sign3A_469 : i1 to i32
      %sign3A_471 = arith.constant 0 : i32
      %sign3A_472 = arith.cmpi slt, %jit3A_459, %sign3A_471 : i32
      %sign3A_473 = arith.extui %sign3A_472 : i1 to i32
      %sign3A_474 = arith.subi %sign3A_470, %sign3A_473 : i32
      %ne3A_475 = arith.cmpi ne, %sign3A_467, %sign3A_474 : i32
      %rem3A_476 = arith.remsi %add3A_204, %jit3A_459 : i32
      %ne3A_477 = arith.constant 0 : i32
      %ne3A_478 = arith.cmpi ne, %rem3A_476, %ne3A_477 : i32
      %and3A_479 = arith.andi %ne3A_475, %ne3A_478 : i1
      %sub3A_480 = arith.constant 1 : i32
      %sub3A_481 = arith.subi %div3A_460, %sub3A_480 : i32
      %select_n3A_482 = arith.select %and3A_479, %sub3A_481, %div3A_460 : i32
      %jit3A_483 = arith.constant 2 : i32
      %eq3A_484 = arith.constant 0 : i32
      %eq3A_485 = arith.cmpi eq, %jit3A_483, %eq3A_484 : i32
      %jit3A_486 = arith.constant 1 : i32
      %select_n3A_487 = arith.select %eq3A_485, %jit3A_486, %jit3A_483 : i32
      %rem3A_488 = arith.remsi %add3A_204, %select_n3A_487 : i32
      %ne3A_489 = arith.constant 0 : i32
      %ne3A_490 = arith.cmpi ne, %rem3A_488, %ne3A_489 : i32
      %lt3A_491 = arith.constant 0 : i32
      %lt3A_492 = arith.cmpi slt, %rem3A_488, %lt3A_491 : i32
      %lt3A_493 = arith.constant 0 : i32
      %lt3A_494 = arith.cmpi slt, %select_n3A_487, %lt3A_493 : i32
      %ne3A_495 = arith.xori %lt3A_492, %lt3A_494 : i1
      %and3A_496 = arith.andi %ne3A_495, %ne3A_490 : i1
      %add3A_497 = arith.addi %rem3A_488, %select_n3A_487 : i32
      %select_n3A_498 = arith.select %and3A_496, %add3A_497, %rem3A_488 : i32
      %mul3A_499 = arith.constant 256 : i32
      %mul3A_500 = arith.muli %select_n3A_498, %mul3A_499 : i32
      %add3A_501 = arith.addi %mul3A_34, %mul3A_500 : i32
      %add3A_502 = arith.addi %mul3A_32, %select_n3A_482 : i32
      %dma_start3A_503 = arith.constant 64 : i32
      %dma_start3A_504 = tpu.memref_slice %arg4[%add3A_502, %add3A_501, %dma_start3A_503] : memref<200x2048x128xf32, #tpu.memory_space<hbm>> -> memref<1x256x64xf32, #tpu.memory_space<hbm>>
      %dma_start3A_505 = tpu.memref_squeeze %dma_start3A_504 : memref<1x256x64xf32, #tpu.memory_space<hbm>> -> memref<256x64xf32, #tpu.memory_space<hbm>>
      %dma_start3A_506 = arith.constant 64 : i32
      %dma_start3A_507 = tpu.memref_slice %arg4[%add3A_502, %add3A_501, %dma_start3A_506] : memref<200x2048x128xf32, #tpu.memory_space<hbm>> -> memref<1x256x64xf32, #tpu.memory_space<hbm>>
      %dma_start3A_508 = tpu.memref_squeeze %dma_start3A_507 : memref<1x256x64xf32, #tpu.memory_space<hbm>> -> memref<256x64xf32, #tpu.memory_space<hbm>>
      tpu.enqueue_dma source(%arg9 : memref<256x64xf32, #tpu.memory_space<vmem>>) target(%dma_start3A_508 : memref<256x64xf32, #tpu.memory_space<hbm>>) target_semaphore(%arg16 : memref<!tpu.dma_semaphore, #tpu.memory_space<semaphore_mem>>)
      %mul3A_509 = arith.constant 3 : i32
      %mul3A_510 = arith.muli %mul3A_509, %scan3A_198 : i32
      %add3A_511 = arith.constant 1 : i32
      %add3A_512 = arith.addi %mul3A_510, %add3A_511 : i32
      %add3A_513 = arith.constant 1 : i32
      %add3A_514 = arith.addi %add3A_512, %add3A_513 : i32
      %sub3A_515 = arith.constant 1 : i32
      %sub3A_516 = arith.subi %add3A_514, %sub3A_515 : i32
      %jit3A_517 = arith.constant 2 : i32
      %div3A_518 = arith.divsi %sub3A_516, %jit3A_517 : i32
      %sign3A_519 = arith.constant 0 : i32
      %sign3A_520 = arith.cmpi sgt, %sub3A_516, %sign3A_519 : i32
      %sign3A_521 = arith.extui %sign3A_520 : i1 to i32
      %sign3A_522 = arith.constant 0 : i32
      %sign3A_523 = arith.cmpi slt, %sub3A_516, %sign3A_522 : i32
      %sign3A_524 = arith.extui %sign3A_523 : i1 to i32
      %sign3A_525 = arith.subi %sign3A_521, %sign3A_524 : i32
      %sign3A_526 = arith.constant 0 : i32
      %sign3A_527 = arith.cmpi sgt, %jit3A_517, %sign3A_526 : i32
      %sign3A_528 = arith.extui %sign3A_527 : i1 to i32
      %sign3A_529 = arith.constant 0 : i32
      %sign3A_530 = arith.cmpi slt, %jit3A_517, %sign3A_529 : i32
      %sign3A_531 = arith.extui %sign3A_530 : i1 to i32
      %sign3A_532 = arith.subi %sign3A_528, %sign3A_531 : i32
      %ne3A_533 = arith.cmpi ne, %sign3A_525, %sign3A_532 : i32
      %rem3A_534 = arith.remsi %sub3A_516, %jit3A_517 : i32
      %ne3A_535 = arith.constant 0 : i32
      %ne3A_536 = arith.cmpi ne, %rem3A_534, %ne3A_535 : i32
      %and3A_537 = arith.andi %ne3A_533, %ne3A_536 : i1
      %sub3A_538 = arith.constant 1 : i32
      %sub3A_539 = arith.subi %div3A_518, %sub3A_538 : i32
      %select_n3A_540 = arith.select %and3A_537, %sub3A_539, %div3A_518 : i32
      %jit3A_541 = arith.constant 2 : i32
      %eq3A_542 = arith.constant 0 : i32
      %eq3A_543 = arith.cmpi eq, %jit3A_541, %eq3A_542 : i32
      %jit3A_544 = arith.constant 1 : i32
      %select_n3A_545 = arith.select %eq3A_543, %jit3A_544, %jit3A_541 : i32
      %rem3A_546 = arith.remsi %sub3A_516, %select_n3A_545 : i32
      %ne3A_547 = arith.constant 0 : i32
      %ne3A_548 = arith.cmpi ne, %rem3A_546, %ne3A_547 : i32
      %lt3A_549 = arith.constant 0 : i32
      %lt3A_550 = arith.cmpi slt, %rem3A_546, %lt3A_549 : i32
      %lt3A_551 = arith.constant 0 : i32
      %lt3A_552 = arith.cmpi slt, %select_n3A_545, %lt3A_551 : i32
      %ne3A_553 = arith.xori %lt3A_550, %lt3A_552 : i1
      %and3A_554 = arith.andi %ne3A_553, %ne3A_548 : i1
      %add3A_555 = arith.addi %rem3A_546, %select_n3A_545 : i32
      %select_n3A_556 = arith.select %and3A_554, %add3A_555, %rem3A_546 : i32
      %mul3A_557 = arith.constant 256 : i32
      %mul3A_558 = arith.muli %select_n3A_556, %mul3A_557 : i32
      %add3A_559 = arith.addi %mul3A_34, %mul3A_558 : i32
      %add3A_560 = arith.addi %mul3A_32, %select_n3A_540 : i32
      %dma_wait3A_561 = arith.constant 0 : i32
      %dma_wait3A_562 = tpu.memref_slice %arg4[%add3A_560, %add3A_559, %dma_wait3A_561] : memref<200x2048x128xf32, #tpu.memory_space<hbm>> -> memref<1x256x64xf32, #tpu.memory_space<hbm>>
      %dma_wait3A_563 = tpu.memref_squeeze %dma_wait3A_562 : memref<1x256x64xf32, #tpu.memory_space<hbm>> -> memref<256x64xf32, #tpu.memory_space<hbm>>
      %dma_wait3A_564 = arith.constant 0 : i32
      %dma_wait3A_565 = tpu.memref_slice %arg4[%add3A_560, %add3A_559, %dma_wait3A_564] : memref<200x2048x128xf32, #tpu.memory_space<hbm>> -> memref<1x256x64xf32, #tpu.memory_space<hbm>>
      %dma_wait3A_566 = tpu.memref_squeeze %dma_wait3A_565 : memref<1x256x64xf32, #tpu.memory_space<hbm>> -> memref<256x64xf32, #tpu.memory_space<hbm>>
      tpu.wait_dma2 semaphore(%arg16 : memref<!tpu.dma_semaphore, #tpu.memory_space<semaphore_mem>>) src(%arg8 : memref<256x64xf32, #tpu.memory_space<vmem>>) dst(%dma_wait3A_566 : memref<256x64xf32, #tpu.memory_space<hbm>>)
      %jit3A_567 = arith.constant 2 : i32
      %div3A_568 = arith.divsi %sub3A_516, %jit3A_567 : i32
      %sign3A_569 = arith.constant 0 : i32
      %sign3A_570 = arith.cmpi sgt, %sub3A_516, %sign3A_569 : i32
      %sign3A_571 = arith.extui %sign3A_570 : i1 to i32
      %sign3A_572 = arith.constant 0 : i32
      %sign3A_573 = arith.cmpi slt, %sub3A_516, %sign3A_572 : i32
      %sign3A_574 = arith.extui %sign3A_573 : i1 to i32
      %sign3A_575 = arith.subi %sign3A_571, %sign3A_574 : i32
      %sign3A_576 = arith.constant 0 : i32
      %sign3A_577 = arith.cmpi sgt, %jit3A_567, %sign3A_576 : i32
      %sign3A_578 = arith.extui %sign3A_577 : i1 to i32
      %sign3A_579 = arith.constant 0 : i32
      %sign3A_580 = arith.cmpi slt, %jit3A_567, %sign3A_579 : i32
      %sign3A_581 = arith.extui %sign3A_580 : i1 to i32
      %sign3A_582 = arith.subi %sign3A_578, %sign3A_581 : i32
      %ne3A_583 = arith.cmpi ne, %sign3A_575, %sign3A_582 : i32
      %rem3A_584 = arith.remsi %sub3A_516, %jit3A_567 : i32
      %ne3A_585 = arith.constant 0 : i32
      %ne3A_586 = arith.cmpi ne, %rem3A_584, %ne3A_585 : i32
      %and3A_587 = arith.andi %ne3A_583, %ne3A_586 : i1
      %sub3A_588 = arith.constant 1 : i32
      %sub3A_589 = arith.subi %div3A_568, %sub3A_588 : i32
      %select_n3A_590 = arith.select %and3A_587, %sub3A_589, %div3A_568 : i32
      %jit3A_591 = arith.constant 2 : i32
      %eq3A_592 = arith.constant 0 : i32
      %eq3A_593 = arith.cmpi eq, %jit3A_591, %eq3A_592 : i32
      %jit3A_594 = arith.constant 1 : i32
      %select_n3A_595 = arith.select %eq3A_593, %jit3A_594, %jit3A_591 : i32
      %rem3A_596 = arith.remsi %sub3A_516, %select_n3A_595 : i32
      %ne3A_597 = arith.constant 0 : i32
      %ne3A_598 = arith.cmpi ne, %rem3A_596, %ne3A_597 : i32
      %lt3A_599 = arith.constant 0 : i32
      %lt3A_600 = arith.cmpi slt, %rem3A_596, %lt3A_599 : i32
      %lt3A_601 = arith.constant 0 : i32
      %lt3A_602 = arith.cmpi slt, %select_n3A_595, %lt3A_601 : i32
      %ne3A_603 = arith.xori %lt3A_600, %lt3A_602 : i1
      %and3A_604 = arith.andi %ne3A_603, %ne3A_598 : i1
      %add3A_605 = arith.addi %rem3A_596, %select_n3A_595 : i32
      %select_n3A_606 = arith.select %and3A_604, %add3A_605, %rem3A_596 : i32
      %mul3A_607 = arith.constant 256 : i32
      %mul3A_608 = arith.muli %select_n3A_606, %mul3A_607 : i32
      %add3A_609 = arith.addi %mul3A_34, %mul3A_608 : i32
      %add3A_610 = arith.addi %mul3A_32, %select_n3A_590 : i32
      %dma_wait3A_611 = arith.constant 64 : i32
      %dma_wait3A_612 = tpu.memref_slice %arg4[%add3A_610, %add3A_609, %dma_wait3A_611] : memref<200x2048x128xf32, #tpu.memory_space<hbm>> -> memref<1x256x64xf32, #tpu.memory_space<hbm>>
      %dma_wait3A_613 = tpu.memref_squeeze %dma_wait3A_612 : memref<1x256x64xf32, #tpu.memory_space<hbm>> -> memref<256x64xf32, #tpu.memory_space<hbm>>
      %dma_wait3A_614 = arith.constant 64 : i32
      %dma_wait3A_615 = tpu.memref_slice %arg4[%add3A_610, %add3A_609, %dma_wait3A_614] : memref<200x2048x128xf32, #tpu.memory_space<hbm>> -> memref<1x256x64xf32, #tpu.memory_space<hbm>>
      %dma_wait3A_616 = tpu.memref_squeeze %dma_wait3A_615 : memref<1x256x64xf32, #tpu.memory_space<hbm>> -> memref<256x64xf32, #tpu.memory_space<hbm>>
      tpu.wait_dma2 semaphore(%arg16 : memref<!tpu.dma_semaphore, #tpu.memory_space<semaphore_mem>>) src(%arg9 : memref<256x64xf32, #tpu.memory_space<vmem>>) dst(%dma_wait3A_616 : memref<256x64xf32, #tpu.memory_space<hbm>>)
      %add3A_617 = arith.constant 3 : i32
      %add3A_618 = arith.addi %add3A_514, %add3A_617 : i32
      %sub3A_619 = arith.constant 1 : i32
      %sub3A_620 = arith.subi %add3A_618, %sub3A_619 : i32
      %le3A_621 = arith.constant 49 : i32
      %le3A_622 = arith.cmpi sle, %sub3A_620, %le3A_621 : i32
      %convert_element_type3A_623 = arith.extui %le3A_622 : i1 to i32
      %cond3A_624 = arith.constant 0 : i32
      %cond3A_625 = arith.cmpi ne, %convert_element_type3A_623, %cond3A_624 : i32
      scf.if %cond3A_625 {
        %jit3A_1135 = arith.constant 2 : i32
        %div3A_1136 = arith.divsi %sub3A_620, %jit3A_1135 : i32
        %sign3A_1137 = arith.constant 0 : i32
        %sign3A_1138 = arith.cmpi sgt, %sub3A_620, %sign3A_1137 : i32
        %sign3A_1139 = arith.extui %sign3A_1138 : i1 to i32
        %sign3A_1140 = arith.constant 0 : i32
        %sign3A_1141 = arith.cmpi slt, %sub3A_620, %sign3A_1140 : i32
        %sign3A_1142 = arith.extui %sign3A_1141 : i1 to i32
        %sign3A_1143 = arith.subi %sign3A_1139, %sign3A_1142 : i32
        %sign3A_1144 = arith.constant 0 : i32
        %sign3A_1145 = arith.cmpi sgt, %jit3A_1135, %sign3A_1144 : i32
        %sign3A_1146 = arith.extui %sign3A_1145 : i1 to i32
        %sign3A_1147 = arith.constant 0 : i32
        %sign3A_1148 = arith.cmpi slt, %jit3A_1135, %sign3A_1147 : i32
        %sign3A_1149 = arith.extui %sign3A_1148 : i1 to i32
        %sign3A_1150 = arith.subi %sign3A_1146, %sign3A_1149 : i32
        %ne3A_1151 = arith.cmpi ne, %sign3A_1143, %sign3A_1150 : i32
        %rem3A_1152 = arith.remsi %sub3A_620, %jit3A_1135 : i32
        %ne3A_1153 = arith.constant 0 : i32
        %ne3A_1154 = arith.cmpi ne, %rem3A_1152, %ne3A_1153 : i32
        %and3A_1155 = arith.andi %ne3A_1151, %ne3A_1154 : i1
        %sub3A_1156 = arith.constant 1 : i32
        %sub3A_1157 = arith.subi %div3A_1136, %sub3A_1156 : i32
        %select_n3A_1158 = arith.select %and3A_1155, %sub3A_1157, %div3A_1136 : i32
        %jit3A_1159 = arith.constant 2 : i32
        %eq3A_1160 = arith.constant 0 : i32
        %eq3A_1161 = arith.cmpi eq, %jit3A_1159, %eq3A_1160 : i32
        %jit3A_1162 = arith.constant 1 : i32
        %select_n3A_1163 = arith.select %eq3A_1161, %jit3A_1162, %jit3A_1159 : i32
        %rem3A_1164 = arith.remsi %sub3A_620, %select_n3A_1163 : i32
        %ne3A_1165 = arith.constant 0 : i32
        %ne3A_1166 = arith.cmpi ne, %rem3A_1164, %ne3A_1165 : i32
        %lt3A_1167 = arith.constant 0 : i32
        %lt3A_1168 = arith.cmpi slt, %rem3A_1164, %lt3A_1167 : i32
        %lt3A_1169 = arith.constant 0 : i32
        %lt3A_1170 = arith.cmpi slt, %select_n3A_1163, %lt3A_1169 : i32
        %ne3A_1171 = arith.xori %lt3A_1168, %lt3A_1170 : i1
        %and3A_1172 = arith.andi %ne3A_1171, %ne3A_1166 : i1
        %add3A_1173 = arith.addi %rem3A_1164, %select_n3A_1163 : i32
        %select_n3A_1174 = arith.select %and3A_1172, %add3A_1173, %rem3A_1164 : i32
        %mul3A_1175 = arith.constant 256 : i32
        %mul3A_1176 = arith.muli %select_n3A_1174, %mul3A_1175 : i32
        %dma_start3A_1177 = arith.constant 0 : i32
        %dma_start3A_1178 = tpu.memref_slice %arg5[%select_n3A_1158, %dma_start3A_1177, %mul3A_1176] : memref<25x2x512xi32, #tpu.memory_space<vmem>> -> memref<1x1x256xi32, #tpu.memory_space<vmem>>
        %dma_start3A_1179 = tpu.memref_squeeze %dma_start3A_1178 : memref<1x1x256xi32, #tpu.memory_space<vmem>> -> memref<256xi32, #tpu.memory_space<vmem>>
        %dma_start3A_1180 = arith.constant 0 : i32
        %dma_start3A_1181 = arith.constant 0 : i32
        %dma_start3A_1182 = tpu.memref_slice %arg3[%dma_start3A_1180, %dma_start3A_1181] : memref<1000000x64xf32, #tpu.memory_space<hbm>> -> memref<1000000x64xf32, #tpu.memory_space<hbm>>
        tpu.enqueue_indirect_dma source(%dma_start3A_1182 : memref<1000000x64xf32, #tpu.memory_space<hbm>>) target(%arg8 : memref<256x64xf32, #tpu.memory_space<vmem>>) offsets(%dma_start3A_1179 : memref<256xi32, #tpu.memory_space<vmem>>) semaphore(%arg13 : memref<!tpu.dma_semaphore, #tpu.memory_space<semaphore_mem>>)
        %jit3A_1183 = arith.constant 2 : i32
        %div3A_1184 = arith.divsi %sub3A_620, %jit3A_1183 : i32
        %sign3A_1185 = arith.constant 0 : i32
        %sign3A_1186 = arith.cmpi sgt, %sub3A_620, %sign3A_1185 : i32
        %sign3A_1187 = arith.extui %sign3A_1186 : i1 to i32
        %sign3A_1188 = arith.constant 0 : i32
        %sign3A_1189 = arith.cmpi slt, %sub3A_620, %sign3A_1188 : i32
        %sign3A_1190 = arith.extui %sign3A_1189 : i1 to i32
        %sign3A_1191 = arith.subi %sign3A_1187, %sign3A_1190 : i32
        %sign3A_1192 = arith.constant 0 : i32
        %sign3A_1193 = arith.cmpi sgt, %jit3A_1183, %sign3A_1192 : i32
        %sign3A_1194 = arith.extui %sign3A_1193 : i1 to i32
        %sign3A_1195 = arith.constant 0 : i32
        %sign3A_1196 = arith.cmpi slt, %jit3A_1183, %sign3A_1195 : i32
        %sign3A_1197 = arith.extui %sign3A_1196 : i1 to i32
        %sign3A_1198 = arith.subi %sign3A_1194, %sign3A_1197 : i32
        %ne3A_1199 = arith.cmpi ne, %sign3A_1191, %sign3A_1198 : i32
        %rem3A_1200 = arith.remsi %sub3A_620, %jit3A_1183 : i32
        %ne3A_1201 = arith.constant 0 : i32
        %ne3A_1202 = arith.cmpi ne, %rem3A_1200, %ne3A_1201 : i32
        %and3A_1203 = arith.andi %ne3A_1199, %ne3A_1202 : i1
        %sub3A_1204 = arith.constant 1 : i32
        %sub3A_1205 = arith.subi %div3A_1184, %sub3A_1204 : i32
        %select_n3A_1206 = arith.select %and3A_1203, %sub3A_1205, %div3A_1184 : i32
        %jit3A_1207 = arith.constant 2 : i32
        %eq3A_1208 = arith.constant 0 : i32
        %eq3A_1209 = arith.cmpi eq, %jit3A_1207, %eq3A_1208 : i32
        %jit3A_1210 = arith.constant 1 : i32
        %select_n3A_1211 = arith.select %eq3A_1209, %jit3A_1210, %jit3A_1207 : i32
        %rem3A_1212 = arith.remsi %sub3A_620, %select_n3A_1211 : i32
        %ne3A_1213 = arith.constant 0 : i32
        %ne3A_1214 = arith.cmpi ne, %rem3A_1212, %ne3A_1213 : i32
        %lt3A_1215 = arith.constant 0 : i32
        %lt3A_1216 = arith.cmpi slt, %rem3A_1212, %lt3A_1215 : i32
        %lt3A_1217 = arith.constant 0 : i32
        %lt3A_1218 = arith.cmpi slt, %select_n3A_1211, %lt3A_1217 : i32
        %ne3A_1219 = arith.xori %lt3A_1216, %lt3A_1218 : i1
        %and3A_1220 = arith.andi %ne3A_1219, %ne3A_1214 : i1
        %add3A_1221 = arith.addi %rem3A_1212, %select_n3A_1211 : i32
        %select_n3A_1222 = arith.select %and3A_1220, %add3A_1221, %rem3A_1212 : i32
        %mul3A_1223 = arith.constant 256 : i32
        %mul3A_1224 = arith.muli %select_n3A_1222, %mul3A_1223 : i32
        %dma_start3A_1225 = arith.constant 1 : i32
        %dma_start3A_1226 = tpu.memref_slice %arg5[%select_n3A_1206, %dma_start3A_1225, %mul3A_1224] : memref<25x2x512xi32, #tpu.memory_space<vmem>> -> memref<1x1x256xi32, #tpu.memory_space<vmem>>
        %dma_start3A_1227 = tpu.memref_squeeze %dma_start3A_1226 : memref<1x1x256xi32, #tpu.memory_space<vmem>> -> memref<256xi32, #tpu.memory_space<vmem>>
        %dma_start3A_1228 = arith.constant 0 : i32
        %dma_start3A_1229 = arith.constant 0 : i32
        %dma_start3A_1230 = tpu.memref_slice %arg3[%dma_start3A_1228, %dma_start3A_1229] : memref<1000000x64xf32, #tpu.memory_space<hbm>> -> memref<1000000x64xf32, #tpu.memory_space<hbm>>
        tpu.enqueue_indirect_dma source(%dma_start3A_1230 : memref<1000000x64xf32, #tpu.memory_space<hbm>>) target(%arg9 : memref<256x64xf32, #tpu.memory_space<vmem>>) offsets(%dma_start3A_1227 : memref<256xi32, #tpu.memory_space<vmem>>) semaphore(%arg13 : memref<!tpu.dma_semaphore, #tpu.memory_space<semaphore_mem>>)
      } else {
      }
      %jit3A_626 = arith.constant 2 : i32
      %div3A_627 = arith.divsi %add3A_514, %jit3A_626 : i32
      %sign3A_628 = arith.constant 0 : i32
      %sign3A_629 = arith.cmpi sgt, %add3A_514, %sign3A_628 : i32
      %sign3A_630 = arith.extui %sign3A_629 : i1 to i32
      %sign3A_631 = arith.constant 0 : i32
      %sign3A_632 = arith.cmpi slt, %add3A_514, %sign3A_631 : i32
      %sign3A_633 = arith.extui %sign3A_632 : i1 to i32
      %sign3A_634 = arith.subi %sign3A_630, %sign3A_633 : i32
      %sign3A_635 = arith.constant 0 : i32
      %sign3A_636 = arith.cmpi sgt, %jit3A_626, %sign3A_635 : i32
      %sign3A_637 = arith.extui %sign3A_636 : i1 to i32
      %sign3A_638 = arith.constant 0 : i32
      %sign3A_639 = arith.cmpi slt, %jit3A_626, %sign3A_638 : i32
      %sign3A_640 = arith.extui %sign3A_639 : i1 to i32
      %sign3A_641 = arith.subi %sign3A_637, %sign3A_640 : i32
      %ne3A_642 = arith.cmpi ne, %sign3A_634, %sign3A_641 : i32
      %rem3A_643 = arith.remsi %add3A_514, %jit3A_626 : i32
      %ne3A_644 = arith.constant 0 : i32
      %ne3A_645 = arith.cmpi ne, %rem3A_643, %ne3A_644 : i32
      %and3A_646 = arith.andi %ne3A_642, %ne3A_645 : i1
      %sub3A_647 = arith.constant 1 : i32
      %sub3A_648 = arith.subi %div3A_627, %sub3A_647 : i32
      %select_n3A_649 = arith.select %and3A_646, %sub3A_648, %div3A_627 : i32
      %jit3A_650 = arith.constant 2 : i32
      %eq3A_651 = arith.constant 0 : i32
      %eq3A_652 = arith.cmpi eq, %jit3A_650, %eq3A_651 : i32
      %jit3A_653 = arith.constant 1 : i32
      %select_n3A_654 = arith.select %eq3A_652, %jit3A_653, %jit3A_650 : i32
      %rem3A_655 = arith.remsi %add3A_514, %select_n3A_654 : i32
      %ne3A_656 = arith.constant 0 : i32
      %ne3A_657 = arith.cmpi ne, %rem3A_655, %ne3A_656 : i32
      %lt3A_658 = arith.constant 0 : i32
      %lt3A_659 = arith.cmpi slt, %rem3A_655, %lt3A_658 : i32
      %lt3A_660 = arith.constant 0 : i32
      %lt3A_661 = arith.cmpi slt, %select_n3A_654, %lt3A_660 : i32
      %ne3A_662 = arith.xori %lt3A_659, %lt3A_661 : i1
      %and3A_663 = arith.andi %ne3A_662, %ne3A_657 : i1
      %add3A_664 = arith.addi %rem3A_655, %select_n3A_654 : i32
      %select_n3A_665 = arith.select %and3A_663, %add3A_664, %rem3A_655 : i32
      %mul3A_666 = arith.constant 256 : i32
      %mul3A_667 = arith.muli %select_n3A_665, %mul3A_666 : i32
      %dma_wait3A_668 = arith.constant 0 : i32
      %dma_wait3A_669 = tpu.memref_slice %arg5[%select_n3A_649, %dma_wait3A_668, %mul3A_667] : memref<25x2x512xi32, #tpu.memory_space<vmem>> -> memref<1x1x256xi32, #tpu.memory_space<vmem>>
      %dma_wait3A_670 = tpu.memref_squeeze %dma_wait3A_669 : memref<1x1x256xi32, #tpu.memory_space<vmem>> -> memref<256xi32, #tpu.memory_space<vmem>>
      %dma_wait3A_671 = arith.constant 0 : i32
      %dma_wait3A_672 = arith.constant 0 : i32
      %dma_wait3A_673 = tpu.memref_slice %arg3[%dma_wait3A_671, %dma_wait3A_672] : memref<1000000x64xf32, #tpu.memory_space<hbm>> -> memref<1000000x64xf32, #tpu.memory_space<hbm>>
      tpu.wait_indirect_dma semaphore(%arg14 : memref<!tpu.dma_semaphore, #tpu.memory_space<semaphore_mem>>) src(%dma_wait3A_673 : memref<1000000x64xf32, #tpu.memory_space<hbm>>) dst(%arg10 : memref<256x64xf32, #tpu.memory_space<vmem>>)
      %jit3A_674 = arith.constant 2 : i32
      %div3A_675 = arith.divsi %add3A_514, %jit3A_674 : i32
      %sign3A_676 = arith.constant 0 : i32
      %sign3A_677 = arith.cmpi sgt, %add3A_514, %sign3A_676 : i32
      %sign3A_678 = arith.extui %sign3A_677 : i1 to i32
      %sign3A_679 = arith.constant 0 : i32
      %sign3A_680 = arith.cmpi slt, %add3A_514, %sign3A_679 : i32
      %sign3A_681 = arith.extui %sign3A_680 : i1 to i32
      %sign3A_682 = arith.subi %sign3A_678, %sign3A_681 : i32
      %sign3A_683 = arith.constant 0 : i32
      %sign3A_684 = arith.cmpi sgt, %jit3A_674, %sign3A_683 : i32
      %sign3A_685 = arith.extui %sign3A_684 : i1 to i32
      %sign3A_686 = arith.constant 0 : i32
      %sign3A_687 = arith.cmpi slt, %jit3A_674, %sign3A_686 : i32
      %sign3A_688 = arith.extui %sign3A_687 : i1 to i32
      %sign3A_689 = arith.subi %sign3A_685, %sign3A_688 : i32
      %ne3A_690 = arith.cmpi ne, %sign3A_682, %sign3A_689 : i32
      %rem3A_691 = arith.remsi %add3A_514, %jit3A_674 : i32
      %ne3A_692 = arith.constant 0 : i32
      %ne3A_693 = arith.cmpi ne, %rem3A_691, %ne3A_692 : i32
      %and3A_694 = arith.andi %ne3A_690, %ne3A_693 : i1
      %sub3A_695 = arith.constant 1 : i32
      %sub3A_696 = arith.subi %div3A_675, %sub3A_695 : i32
      %select_n3A_697 = arith.select %and3A_694, %sub3A_696, %div3A_675 : i32
      %jit3A_698 = arith.constant 2 : i32
      %eq3A_699 = arith.constant 0 : i32
      %eq3A_700 = arith.cmpi eq, %jit3A_698, %eq3A_699 : i32
      %jit3A_701 = arith.constant 1 : i32
      %select_n3A_702 = arith.select %eq3A_700, %jit3A_701, %jit3A_698 : i32
      %rem3A_703 = arith.remsi %add3A_514, %select_n3A_702 : i32
      %ne3A_704 = arith.constant 0 : i32
      %ne3A_705 = arith.cmpi ne, %rem3A_703, %ne3A_704 : i32
      %lt3A_706 = arith.constant 0 : i32
      %lt3A_707 = arith.cmpi slt, %rem3A_703, %lt3A_706 : i32
      %lt3A_708 = arith.constant 0 : i32
      %lt3A_709 = arith.cmpi slt, %select_n3A_702, %lt3A_708 : i32
      %ne3A_710 = arith.xori %lt3A_707, %lt3A_709 : i1
      %and3A_711 = arith.andi %ne3A_710, %ne3A_705 : i1
      %add3A_712 = arith.addi %rem3A_703, %select_n3A_702 : i32
      %select_n3A_713 = arith.select %and3A_711, %add3A_712, %rem3A_703 : i32
      %mul3A_714 = arith.constant 256 : i32
      %mul3A_715 = arith.muli %select_n3A_713, %mul3A_714 : i32
      %dma_wait3A_716 = arith.constant 1 : i32
      %dma_wait3A_717 = tpu.memref_slice %arg5[%select_n3A_697, %dma_wait3A_716, %mul3A_715] : memref<25x2x512xi32, #tpu.memory_space<vmem>> -> memref<1x1x256xi32, #tpu.memory_space<vmem>>
      %dma_wait3A_718 = tpu.memref_squeeze %dma_wait3A_717 : memref<1x1x256xi32, #tpu.memory_space<vmem>> -> memref<256xi32, #tpu.memory_space<vmem>>
      %dma_wait3A_719 = arith.constant 0 : i32
      %dma_wait3A_720 = arith.constant 0 : i32
      %dma_wait3A_721 = tpu.memref_slice %arg3[%dma_wait3A_719, %dma_wait3A_720] : memref<1000000x64xf32, #tpu.memory_space<hbm>> -> memref<1000000x64xf32, #tpu.memory_space<hbm>>
      tpu.wait_indirect_dma semaphore(%arg14 : memref<!tpu.dma_semaphore, #tpu.memory_space<semaphore_mem>>) src(%dma_wait3A_721 : memref<1000000x64xf32, #tpu.memory_space<hbm>>) dst(%arg11 : memref<256x64xf32, #tpu.memory_space<vmem>>)
      %jit3A_722 = arith.constant 2 : i32
      %div3A_723 = arith.divsi %add3A_514, %jit3A_722 : i32
      %sign3A_724 = arith.constant 0 : i32
      %sign3A_725 = arith.cmpi sgt, %add3A_514, %sign3A_724 : i32
      %sign3A_726 = arith.extui %sign3A_725 : i1 to i32
      %sign3A_727 = arith.constant 0 : i32
      %sign3A_728 = arith.cmpi slt, %add3A_514, %sign3A_727 : i32
      %sign3A_729 = arith.extui %sign3A_728 : i1 to i32
      %sign3A_730 = arith.subi %sign3A_726, %sign3A_729 : i32
      %sign3A_731 = arith.constant 0 : i32
      %sign3A_732 = arith.cmpi sgt, %jit3A_722, %sign3A_731 : i32
      %sign3A_733 = arith.extui %sign3A_732 : i1 to i32
      %sign3A_734 = arith.constant 0 : i32
      %sign3A_735 = arith.cmpi slt, %jit3A_722, %sign3A_734 : i32
      %sign3A_736 = arith.extui %sign3A_735 : i1 to i32
      %sign3A_737 = arith.subi %sign3A_733, %sign3A_736 : i32
      %ne3A_738 = arith.cmpi ne, %sign3A_730, %sign3A_737 : i32
      %rem3A_739 = arith.remsi %add3A_514, %jit3A_722 : i32
      %ne3A_740 = arith.constant 0 : i32
      %ne3A_741 = arith.cmpi ne, %rem3A_739, %ne3A_740 : i32
      %and3A_742 = arith.andi %ne3A_738, %ne3A_741 : i1
      %sub3A_743 = arith.constant 1 : i32
      %sub3A_744 = arith.subi %div3A_723, %sub3A_743 : i32
      %select_n3A_745 = arith.select %and3A_742, %sub3A_744, %div3A_723 : i32
      %jit3A_746 = arith.constant 2 : i32
      %eq3A_747 = arith.constant 0 : i32
      %eq3A_748 = arith.cmpi eq, %jit3A_746, %eq3A_747 : i32
      %jit3A_749 = arith.constant 1 : i32
      %select_n3A_750 = arith.select %eq3A_748, %jit3A_749, %jit3A_746 : i32
      %rem3A_751 = arith.remsi %add3A_514, %select_n3A_750 : i32
      %ne3A_752 = arith.constant 0 : i32
      %ne3A_753 = arith.cmpi ne, %rem3A_751, %ne3A_752 : i32
      %lt3A_754 = arith.constant 0 : i32
      %lt3A_755 = arith.cmpi slt, %rem3A_751, %lt3A_754 : i32
      %lt3A_756 = arith.constant 0 : i32
      %lt3A_757 = arith.cmpi slt, %select_n3A_750, %lt3A_756 : i32
      %ne3A_758 = arith.xori %lt3A_755, %lt3A_757 : i1
      %and3A_759 = arith.andi %ne3A_758, %ne3A_753 : i1
      %add3A_760 = arith.addi %rem3A_751, %select_n3A_750 : i32
      %select_n3A_761 = arith.select %and3A_759, %add3A_760, %rem3A_751 : i32
      %mul3A_762 = arith.constant 256 : i32
      %mul3A_763 = arith.muli %select_n3A_761, %mul3A_762 : i32
      %add3A_764 = arith.addi %mul3A_34, %mul3A_763 : i32
      %add3A_765 = arith.addi %mul3A_32, %select_n3A_745 : i32
      %dma_start3A_766 = arith.constant 0 : i32
      %dma_start3A_767 = tpu.memref_slice %arg4[%add3A_765, %add3A_764, %dma_start3A_766] : memref<200x2048x128xf32, #tpu.memory_space<hbm>> -> memref<1x256x64xf32, #tpu.memory_space<hbm>>
      %dma_start3A_768 = tpu.memref_squeeze %dma_start3A_767 : memref<1x256x64xf32, #tpu.memory_space<hbm>> -> memref<256x64xf32, #tpu.memory_space<hbm>>
      %dma_start3A_769 = arith.constant 0 : i32
      %dma_start3A_770 = tpu.memref_slice %arg4[%add3A_765, %add3A_764, %dma_start3A_769] : memref<200x2048x128xf32, #tpu.memory_space<hbm>> -> memref<1x256x64xf32, #tpu.memory_space<hbm>>
      %dma_start3A_771 = tpu.memref_squeeze %dma_start3A_770 : memref<1x256x64xf32, #tpu.memory_space<hbm>> -> memref<256x64xf32, #tpu.memory_space<hbm>>
      tpu.enqueue_dma source(%arg10 : memref<256x64xf32, #tpu.memory_space<vmem>>) target(%dma_start3A_771 : memref<256x64xf32, #tpu.memory_space<hbm>>) target_semaphore(%arg17 : memref<!tpu.dma_semaphore, #tpu.memory_space<semaphore_mem>>)
      %jit3A_772 = arith.constant 2 : i32
      %div3A_773 = arith.divsi %add3A_514, %jit3A_772 : i32
      %sign3A_774 = arith.constant 0 : i32
      %sign3A_775 = arith.cmpi sgt, %add3A_514, %sign3A_774 : i32
      %sign3A_776 = arith.extui %sign3A_775 : i1 to i32
      %sign3A_777 = arith.constant 0 : i32
      %sign3A_778 = arith.cmpi slt, %add3A_514, %sign3A_777 : i32
      %sign3A_779 = arith.extui %sign3A_778 : i1 to i32
      %sign3A_780 = arith.subi %sign3A_776, %sign3A_779 : i32
      %sign3A_781 = arith.constant 0 : i32
      %sign3A_782 = arith.cmpi sgt, %jit3A_772, %sign3A_781 : i32
      %sign3A_783 = arith.extui %sign3A_782 : i1 to i32
      %sign3A_784 = arith.constant 0 : i32
      %sign3A_785 = arith.cmpi slt, %jit3A_772, %sign3A_784 : i32
      %sign3A_786 = arith.extui %sign3A_785 : i1 to i32
      %sign3A_787 = arith.subi %sign3A_783, %sign3A_786 : i32
      %ne3A_788 = arith.cmpi ne, %sign3A_780, %sign3A_787 : i32
      %rem3A_789 = arith.remsi %add3A_514, %jit3A_772 : i32
      %ne3A_790 = arith.constant 0 : i32
      %ne3A_791 = arith.cmpi ne, %rem3A_789, %ne3A_790 : i32
      %and3A_792 = arith.andi %ne3A_788, %ne3A_791 : i1
      %sub3A_793 = arith.constant 1 : i32
      %sub3A_794 = arith.subi %div3A_773, %sub3A_793 : i32
      %select_n3A_795 = arith.select %and3A_792, %sub3A_794, %div3A_773 : i32
      %jit3A_796 = arith.constant 2 : i32
      %eq3A_797 = arith.constant 0 : i32
      %eq3A_798 = arith.cmpi eq, %jit3A_796, %eq3A_797 : i32
      %jit3A_799 = arith.constant 1 : i32
      %select_n3A_800 = arith.select %eq3A_798, %jit3A_799, %jit3A_796 : i32
      %rem3A_801 = arith.remsi %add3A_514, %select_n3A_800 : i32
      %ne3A_802 = arith.constant 0 : i32
      %ne3A_803 = arith.cmpi ne, %rem3A_801, %ne3A_802 : i32
      %lt3A_804 = arith.constant 0 : i32
      %lt3A_805 = arith.cmpi slt, %rem3A_801, %lt3A_804 : i32
      %lt3A_806 = arith.constant 0 : i32
      %lt3A_807 = arith.cmpi slt, %select_n3A_800, %lt3A_806 : i32
      %ne3A_808 = arith.xori %lt3A_805, %lt3A_807 : i1
      %and3A_809 = arith.andi %ne3A_808, %ne3A_803 : i1
      %add3A_810 = arith.addi %rem3A_801, %select_n3A_800 : i32
      %select_n3A_811 = arith.select %and3A_809, %add3A_810, %rem3A_801 : i32
      %mul3A_812 = arith.constant 256 : i32
      %mul3A_813 = arith.muli %select_n3A_811, %mul3A_812 : i32
      %add3A_814 = arith.addi %mul3A_34, %mul3A_813 : i32
      %add3A_815 = arith.addi %mul3A_32, %select_n3A_795 : i32
      %dma_start3A_816 = arith.constant 64 : i32
      %dma_start3A_817 = tpu.memref_slice %arg4[%add3A_815, %add3A_814, %dma_start3A_816] : memref<200x2048x128xf32, #tpu.memory_space<hbm>> -> memref<1x256x64xf32, #tpu.memory_space<hbm>>
      %dma_start3A_818 = tpu.memref_squeeze %dma_start3A_817 : memref<1x256x64xf32, #tpu.memory_space<hbm>> -> memref<256x64xf32, #tpu.memory_space<hbm>>
      %dma_start3A_819 = arith.constant 64 : i32
      %dma_start3A_820 = tpu.memref_slice %arg4[%add3A_815, %add3A_814, %dma_start3A_819] : memref<200x2048x128xf32, #tpu.memory_space<hbm>> -> memref<1x256x64xf32, #tpu.memory_space<hbm>>
      %dma_start3A_821 = tpu.memref_squeeze %dma_start3A_820 : memref<1x256x64xf32, #tpu.memory_space<hbm>> -> memref<256x64xf32, #tpu.memory_space<hbm>>
      tpu.enqueue_dma source(%arg11 : memref<256x64xf32, #tpu.memory_space<vmem>>) target(%dma_start3A_821 : memref<256x64xf32, #tpu.memory_space<hbm>>) target_semaphore(%arg17 : memref<!tpu.dma_semaphore, #tpu.memory_space<semaphore_mem>>)
      %mul3A_822 = arith.constant 3 : i32
      %mul3A_823 = arith.muli %mul3A_822, %scan3A_198 : i32
      %add3A_824 = arith.constant 1 : i32
      %add3A_825 = arith.addi %mul3A_823, %add3A_824 : i32
      %add3A_826 = arith.constant 2 : i32
      %add3A_827 = arith.addi %add3A_825, %add3A_826 : i32
      %sub3A_828 = arith.constant 1 : i32
      %sub3A_829 = arith.subi %add3A_827, %sub3A_828 : i32
      %jit3A_830 = arith.constant 2 : i32
      %div3A_831 = arith.divsi %sub3A_829, %jit3A_830 : i32
      %sign3A_832 = arith.constant 0 : i32
      %sign3A_833 = arith.cmpi sgt, %sub3A_829, %sign3A_832 : i32
      %sign3A_834 = arith.extui %sign3A_833 : i1 to i32
      %sign3A_835 = arith.constant 0 : i32
      %sign3A_836 = arith.cmpi slt, %sub3A_829, %sign3A_835 : i32
      %sign3A_837 = arith.extui %sign3A_836 : i1 to i32
      %sign3A_838 = arith.subi %sign3A_834, %sign3A_837 : i32
      %sign3A_839 = arith.constant 0 : i32
      %sign3A_840 = arith.cmpi sgt, %jit3A_830, %sign3A_839 : i32
      %sign3A_841 = arith.extui %sign3A_840 : i1 to i32
      %sign3A_842 = arith.constant 0 : i32
      %sign3A_843 = arith.cmpi slt, %jit3A_830, %sign3A_842 : i32
      %sign3A_844 = arith.extui %sign3A_843 : i1 to i32
      %sign3A_845 = arith.subi %sign3A_841, %sign3A_844 : i32
      %ne3A_846 = arith.cmpi ne, %sign3A_838, %sign3A_845 : i32
      %rem3A_847 = arith.remsi %sub3A_829, %jit3A_830 : i32
      %ne3A_848 = arith.constant 0 : i32
      %ne3A_849 = arith.cmpi ne, %rem3A_847, %ne3A_848 : i32
      %and3A_850 = arith.andi %ne3A_846, %ne3A_849 : i1
      %sub3A_851 = arith.constant 1 : i32
      %sub3A_852 = arith.subi %div3A_831, %sub3A_851 : i32
      %select_n3A_853 = arith.select %and3A_850, %sub3A_852, %div3A_831 : i32
      %jit3A_854 = arith.constant 2 : i32
      %eq3A_855 = arith.constant 0 : i32
      %eq3A_856 = arith.cmpi eq, %jit3A_854, %eq3A_855 : i32
      %jit3A_857 = arith.constant 1 : i32
      %select_n3A_858 = arith.select %eq3A_856, %jit3A_857, %jit3A_854 : i32
      %rem3A_859 = arith.remsi %sub3A_829, %select_n3A_858 : i32
      %ne3A_860 = arith.constant 0 : i32
      %ne3A_861 = arith.cmpi ne, %rem3A_859, %ne3A_860 : i32
      %lt3A_862 = arith.constant 0 : i32
      %lt3A_863 = arith.cmpi slt, %rem3A_859, %lt3A_862 : i32
      %lt3A_864 = arith.constant 0 : i32
      %lt3A_865 = arith.cmpi slt, %select_n3A_858, %lt3A_864 : i32
      %ne3A_866 = arith.xori %lt3A_863, %lt3A_865 : i1
      %and3A_867 = arith.andi %ne3A_866, %ne3A_861 : i1
      %add3A_868 = arith.addi %rem3A_859, %select_n3A_858 : i32
      %select_n3A_869 = arith.select %and3A_867, %add3A_868, %rem3A_859 : i32
      %mul3A_870 = arith.constant 256 : i32
      %mul3A_871 = arith.muli %select_n3A_869, %mul3A_870 : i32
      %add3A_872 = arith.addi %mul3A_34, %mul3A_871 : i32
      %add3A_873 = arith.addi %mul3A_32, %select_n3A_853 : i32
      %dma_wait3A_874 = arith.constant 0 : i32
      %dma_wait3A_875 = tpu.memref_slice %arg4[%add3A_873, %add3A_872, %dma_wait3A_874] : memref<200x2048x128xf32, #tpu.memory_space<hbm>> -> memref<1x256x64xf32, #tpu.memory_space<hbm>>
      %dma_wait3A_876 = tpu.memref_squeeze %dma_wait3A_875 : memref<1x256x64xf32, #tpu.memory_space<hbm>> -> memref<256x64xf32, #tpu.memory_space<hbm>>
      %dma_wait3A_877 = arith.constant 0 : i32
      %dma_wait3A_878 = tpu.memref_slice %arg4[%add3A_873, %add3A_872, %dma_wait3A_877] : memref<200x2048x128xf32, #tpu.memory_space<hbm>> -> memref<1x256x64xf32, #tpu.memory_space<hbm>>
      %dma_wait3A_879 = tpu.memref_squeeze %dma_wait3A_878 : memref<1x256x64xf32, #tpu.memory_space<hbm>> -> memref<256x64xf32, #tpu.memory_space<hbm>>
      tpu.wait_dma2 semaphore(%arg17 : memref<!tpu.dma_semaphore, #tpu.memory_space<semaphore_mem>>) src(%arg10 : memref<256x64xf32, #tpu.memory_space<vmem>>) dst(%dma_wait3A_879 : memref<256x64xf32, #tpu.memory_space<hbm>>)
      %jit3A_880 = arith.constant 2 : i32
      %div3A_881 = arith.divsi %sub3A_829, %jit3A_880 : i32
      %sign3A_882 = arith.constant 0 : i32
      %sign3A_883 = arith.cmpi sgt, %sub3A_829, %sign3A_882 : i32
      %sign3A_884 = arith.extui %sign3A_883 : i1 to i32
      %sign3A_885 = arith.constant 0 : i32
      %sign3A_886 = arith.cmpi slt, %sub3A_829, %sign3A_885 : i32
      %sign3A_887 = arith.extui %sign3A_886 : i1 to i32
      %sign3A_888 = arith.subi %sign3A_884, %sign3A_887 : i32
      %sign3A_889 = arith.constant 0 : i32
      %sign3A_890 = arith.cmpi sgt, %jit3A_880, %sign3A_889 : i32
      %sign3A_891 = arith.extui %sign3A_890 : i1 to i32
      %sign3A_892 = arith.constant 0 : i32
      %sign3A_893 = arith.cmpi slt, %jit3A_880, %sign3A_892 : i32
      %sign3A_894 = arith.extui %sign3A_893 : i1 to i32
      %sign3A_895 = arith.subi %sign3A_891, %sign3A_894 : i32
      %ne3A_896 = arith.cmpi ne, %sign3A_888, %sign3A_895 : i32
      %rem3A_897 = arith.remsi %sub3A_829, %jit3A_880 : i32
      %ne3A_898 = arith.constant 0 : i32
      %ne3A_899 = arith.cmpi ne, %rem3A_897, %ne3A_898 : i32
      %and3A_900 = arith.andi %ne3A_896, %ne3A_899 : i1
      %sub3A_901 = arith.constant 1 : i32
      %sub3A_902 = arith.subi %div3A_881, %sub3A_901 : i32
      %select_n3A_903 = arith.select %and3A_900, %sub3A_902, %div3A_881 : i32
      %jit3A_904 = arith.constant 2 : i32
      %eq3A_905 = arith.constant 0 : i32
      %eq3A_906 = arith.cmpi eq, %jit3A_904, %eq3A_905 : i32
      %jit3A_907 = arith.constant 1 : i32
      %select_n3A_908 = arith.select %eq3A_906, %jit3A_907, %jit3A_904 : i32
      %rem3A_909 = arith.remsi %sub3A_829, %select_n3A_908 : i32
      %ne3A_910 = arith.constant 0 : i32
      %ne3A_911 = arith.cmpi ne, %rem3A_909, %ne3A_910 : i32
      %lt3A_912 = arith.constant 0 : i32
      %lt3A_913 = arith.cmpi slt, %rem3A_909, %lt3A_912 : i32
      %lt3A_914 = arith.constant 0 : i32
      %lt3A_915 = arith.cmpi slt, %select_n3A_908, %lt3A_914 : i32
      %ne3A_916 = arith.xori %lt3A_913, %lt3A_915 : i1
      %and3A_917 = arith.andi %ne3A_916, %ne3A_911 : i1
      %add3A_918 = arith.addi %rem3A_909, %select_n3A_908 : i32
      %select_n3A_919 = arith.select %and3A_917, %add3A_918, %rem3A_909 : i32
      %mul3A_920 = arith.constant 256 : i32
      %mul3A_921 = arith.muli %select_n3A_919, %mul3A_920 : i32
      %add3A_922 = arith.addi %mul3A_34, %mul3A_921 : i32
      %add3A_923 = arith.addi %mul3A_32, %select_n3A_903 : i32
      %dma_wait3A_924 = arith.constant 64 : i32
      %dma_wait3A_925 = tpu.memref_slice %arg4[%add3A_923, %add3A_922, %dma_wait3A_924] : memref<200x2048x128xf32, #tpu.memory_space<hbm>> -> memref<1x256x64xf32, #tpu.memory_space<hbm>>
      %dma_wait3A_926 = tpu.memref_squeeze %dma_wait3A_925 : memref<1x256x64xf32, #tpu.memory_space<hbm>> -> memref<256x64xf32, #tpu.memory_space<hbm>>
      %dma_wait3A_927 = arith.constant 64 : i32
      %dma_wait3A_928 = tpu.memref_slice %arg4[%add3A_923, %add3A_922, %dma_wait3A_927] : memref<200x2048x128xf32, #tpu.memory_space<hbm>> -> memref<1x256x64xf32, #tpu.memory_space<hbm>>
      %dma_wait3A_929 = tpu.memref_squeeze %dma_wait3A_928 : memref<1x256x64xf32, #tpu.memory_space<hbm>> -> memref<256x64xf32, #tpu.memory_space<hbm>>
      tpu.wait_dma2 semaphore(%arg17 : memref<!tpu.dma_semaphore, #tpu.memory_space<semaphore_mem>>) src(%arg11 : memref<256x64xf32, #tpu.memory_space<vmem>>) dst(%dma_wait3A_929 : memref<256x64xf32, #tpu.memory_space<hbm>>)
      %add3A_930 = arith.constant 3 : i32
      %add3A_931 = arith.addi %add3A_827, %add3A_930 : i32
      %sub3A_932 = arith.constant 1 : i32
      %sub3A_933 = arith.subi %add3A_931, %sub3A_932 : i32
      %le3A_934 = arith.constant 49 : i32
      %le3A_935 = arith.cmpi sle, %sub3A_933, %le3A_934 : i32
      %convert_element_type3A_936 = arith.extui %le3A_935 : i1 to i32
      %cond3A_937 = arith.constant 0 : i32
      %cond3A_938 = arith.cmpi ne, %convert_element_type3A_936, %cond3A_937 : i32
      scf.if %cond3A_938 {
        %jit3A_1135 = arith.constant 2 : i32
        %div3A_1136 = arith.divsi %sub3A_933, %jit3A_1135 : i32
        %sign3A_1137 = arith.constant 0 : i32
        %sign3A_1138 = arith.cmpi sgt, %sub3A_933, %sign3A_1137 : i32
        %sign3A_1139 = arith.extui %sign3A_1138 : i1 to i32
        %sign3A_1140 = arith.constant 0 : i32
        %sign3A_1141 = arith.cmpi slt, %sub3A_933, %sign3A_1140 : i32
        %sign3A_1142 = arith.extui %sign3A_1141 : i1 to i32
        %sign3A_1143 = arith.subi %sign3A_1139, %sign3A_1142 : i32
        %sign3A_1144 = arith.constant 0 : i32
        %sign3A_1145 = arith.cmpi sgt, %jit3A_1135, %sign3A_1144 : i32
        %sign3A_1146 = arith.extui %sign3A_1145 : i1 to i32
        %sign3A_1147 = arith.constant 0 : i32
        %sign3A_1148 = arith.cmpi slt, %jit3A_1135, %sign3A_1147 : i32
        %sign3A_1149 = arith.extui %sign3A_1148 : i1 to i32
        %sign3A_1150 = arith.subi %sign3A_1146, %sign3A_1149 : i32
        %ne3A_1151 = arith.cmpi ne, %sign3A_1143, %sign3A_1150 : i32
        %rem3A_1152 = arith.remsi %sub3A_933, %jit3A_1135 : i32
        %ne3A_1153 = arith.constant 0 : i32
        %ne3A_1154 = arith.cmpi ne, %rem3A_1152, %ne3A_1153 : i32
        %and3A_1155 = arith.andi %ne3A_1151, %ne3A_1154 : i1
        %sub3A_1156 = arith.constant 1 : i32
        %sub3A_1157 = arith.subi %div3A_1136, %sub3A_1156 : i32
        %select_n3A_1158 = arith.select %and3A_1155, %sub3A_1157, %div3A_1136 : i32
        %jit3A_1159 = arith.constant 2 : i32
        %eq3A_1160 = arith.constant 0 : i32
        %eq3A_1161 = arith.cmpi eq, %jit3A_1159, %eq3A_1160 : i32
        %jit3A_1162 = arith.constant 1 : i32
        %select_n3A_1163 = arith.select %eq3A_1161, %jit3A_1162, %jit3A_1159 : i32
        %rem3A_1164 = arith.remsi %sub3A_933, %select_n3A_1163 : i32
        %ne3A_1165 = arith.constant 0 : i32
        %ne3A_1166 = arith.cmpi ne, %rem3A_1164, %ne3A_1165 : i32
        %lt3A_1167 = arith.constant 0 : i32
        %lt3A_1168 = arith.cmpi slt, %rem3A_1164, %lt3A_1167 : i32
        %lt3A_1169 = arith.constant 0 : i32
        %lt3A_1170 = arith.cmpi slt, %select_n3A_1163, %lt3A_1169 : i32
        %ne3A_1171 = arith.xori %lt3A_1168, %lt3A_1170 : i1
        %and3A_1172 = arith.andi %ne3A_1171, %ne3A_1166 : i1
        %add3A_1173 = arith.addi %rem3A_1164, %select_n3A_1163 : i32
        %select_n3A_1174 = arith.select %and3A_1172, %add3A_1173, %rem3A_1164 : i32
        %mul3A_1175 = arith.constant 256 : i32
        %mul3A_1176 = arith.muli %select_n3A_1174, %mul3A_1175 : i32
        %dma_start3A_1177 = arith.constant 0 : i32
        %dma_start3A_1178 = tpu.memref_slice %arg5[%select_n3A_1158, %dma_start3A_1177, %mul3A_1176] : memref<25x2x512xi32, #tpu.memory_space<vmem>> -> memref<1x1x256xi32, #tpu.memory_space<vmem>>
        %dma_start3A_1179 = tpu.memref_squeeze %dma_start3A_1178 : memref<1x1x256xi32, #tpu.memory_space<vmem>> -> memref<256xi32, #tpu.memory_space<vmem>>
        %dma_start3A_1180 = arith.constant 0 : i32
        %dma_start3A_1181 = arith.constant 0 : i32
        %dma_start3A_1182 = tpu.memref_slice %arg3[%dma_start3A_1180, %dma_start3A_1181] : memref<1000000x64xf32, #tpu.memory_space<hbm>> -> memref<1000000x64xf32, #tpu.memory_space<hbm>>
        tpu.enqueue_indirect_dma source(%dma_start3A_1182 : memref<1000000x64xf32, #tpu.memory_space<hbm>>) target(%arg10 : memref<256x64xf32, #tpu.memory_space<vmem>>) offsets(%dma_start3A_1179 : memref<256xi32, #tpu.memory_space<vmem>>) semaphore(%arg14 : memref<!tpu.dma_semaphore, #tpu.memory_space<semaphore_mem>>)
        %jit3A_1183 = arith.constant 2 : i32
        %div3A_1184 = arith.divsi %sub3A_933, %jit3A_1183 : i32
        %sign3A_1185 = arith.constant 0 : i32
        %sign3A_1186 = arith.cmpi sgt, %sub3A_933, %sign3A_1185 : i32
        %sign3A_1187 = arith.extui %sign3A_1186 : i1 to i32
        %sign3A_1188 = arith.constant 0 : i32
        %sign3A_1189 = arith.cmpi slt, %sub3A_933, %sign3A_1188 : i32
        %sign3A_1190 = arith.extui %sign3A_1189 : i1 to i32
        %sign3A_1191 = arith.subi %sign3A_1187, %sign3A_1190 : i32
        %sign3A_1192 = arith.constant 0 : i32
        %sign3A_1193 = arith.cmpi sgt, %jit3A_1183, %sign3A_1192 : i32
        %sign3A_1194 = arith.extui %sign3A_1193 : i1 to i32
        %sign3A_1195 = arith.constant 0 : i32
        %sign3A_1196 = arith.cmpi slt, %jit3A_1183, %sign3A_1195 : i32
        %sign3A_1197 = arith.extui %sign3A_1196 : i1 to i32
        %sign3A_1198 = arith.subi %sign3A_1194, %sign3A_1197 : i32
        %ne3A_1199 = arith.cmpi ne, %sign3A_1191, %sign3A_1198 : i32
        %rem3A_1200 = arith.remsi %sub3A_933, %jit3A_1183 : i32
        %ne3A_1201 = arith.constant 0 : i32
        %ne3A_1202 = arith.cmpi ne, %rem3A_1200, %ne3A_1201 : i32
        %and3A_1203 = arith.andi %ne3A_1199, %ne3A_1202 : i1
        %sub3A_1204 = arith.constant 1 : i32
        %sub3A_1205 = arith.subi %div3A_1184, %sub3A_1204 : i32
        %select_n3A_1206 = arith.select %and3A_1203, %sub3A_1205, %div3A_1184 : i32
        %jit3A_1207 = arith.constant 2 : i32
        %eq3A_1208 = arith.constant 0 : i32
        %eq3A_1209 = arith.cmpi eq, %jit3A_1207, %eq3A_1208 : i32
        %jit3A_1210 = arith.constant 1 : i32
        %select_n3A_1211 = arith.select %eq3A_1209, %jit3A_1210, %jit3A_1207 : i32
        %rem3A_1212 = arith.remsi %sub3A_933, %select_n3A_1211 : i32
        %ne3A_1213 = arith.constant 0 : i32
        %ne3A_1214 = arith.cmpi ne, %rem3A_1212, %ne3A_1213 : i32
        %lt3A_1215 = arith.constant 0 : i32
        %lt3A_1216 = arith.cmpi slt, %rem3A_1212, %lt3A_1215 : i32
        %lt3A_1217 = arith.constant 0 : i32
        %lt3A_1218 = arith.cmpi slt, %select_n3A_1211, %lt3A_1217 : i32
        %ne3A_1219 = arith.xori %lt3A_1216, %lt3A_1218 : i1
        %and3A_1220 = arith.andi %ne3A_1219, %ne3A_1214 : i1
        %add3A_1221 = arith.addi %rem3A_1212, %select_n3A_1211 : i32
        %select_n3A_1222 = arith.select %and3A_1220, %add3A_1221, %rem3A_1212 : i32
        %mul3A_1223 = arith.constant 256 : i32
        %mul3A_1224 = arith.muli %select_n3A_1222, %mul3A_1223 : i32
        %dma_start3A_1225 = arith.constant 1 : i32
        %dma_start3A_1226 = tpu.memref_slice %arg5[%select_n3A_1206, %dma_start3A_1225, %mul3A_1224] : memref<25x2x512xi32, #tpu.memory_space<vmem>> -> memref<1x1x256xi32, #tpu.memory_space<vmem>>
        %dma_start3A_1227 = tpu.memref_squeeze %dma_start3A_1226 : memref<1x1x256xi32, #tpu.memory_space<vmem>> -> memref<256xi32, #tpu.memory_space<vmem>>
        %dma_start3A_1228 = arith.constant 0 : i32
        %dma_start3A_1229 = arith.constant 0 : i32
        %dma_start3A_1230 = tpu.memref_slice %arg3[%dma_start3A_1228, %dma_start3A_1229] : memref<1000000x64xf32, #tpu.memory_space<hbm>> -> memref<1000000x64xf32, #tpu.memory_space<hbm>>
        tpu.enqueue_indirect_dma source(%dma_start3A_1230 : memref<1000000x64xf32, #tpu.memory_space<hbm>>) target(%arg11 : memref<256x64xf32, #tpu.memory_space<vmem>>) offsets(%dma_start3A_1227 : memref<256xi32, #tpu.memory_space<vmem>>) semaphore(%arg14 : memref<!tpu.dma_semaphore, #tpu.memory_space<semaphore_mem>>)
      } else {
      }
      %jit3A_939 = arith.constant 2 : i32
      %div3A_940 = arith.divsi %add3A_827, %jit3A_939 : i32
      %sign3A_941 = arith.constant 0 : i32
      %sign3A_942 = arith.cmpi sgt, %add3A_827, %sign3A_941 : i32
      %sign3A_943 = arith.extui %sign3A_942 : i1 to i32
      %sign3A_944 = arith.constant 0 : i32
      %sign3A_945 = arith.cmpi slt, %add3A_827, %sign3A_944 : i32
      %sign3A_946 = arith.extui %sign3A_945 : i1 to i32
      %sign3A_947 = arith.subi %sign3A_943, %sign3A_946 : i32
      %sign3A_948 = arith.constant 0 : i32
      %sign3A_949 = arith.cmpi sgt, %jit3A_939, %sign3A_948 : i32
      %sign3A_950 = arith.extui %sign3A_949 : i1 to i32
      %sign3A_951 = arith.constant 0 : i32
      %sign3A_952 = arith.cmpi slt, %jit3A_939, %sign3A_951 : i32
      %sign3A_953 = arith.extui %sign3A_952 : i1 to i32
      %sign3A_954 = arith.subi %sign3A_950, %sign3A_953 : i32
      %ne3A_955 = arith.cmpi ne, %sign3A_947, %sign3A_954 : i32
      %rem3A_956 = arith.remsi %add3A_827, %jit3A_939 : i32
      %ne3A_957 = arith.constant 0 : i32
      %ne3A_958 = arith.cmpi ne, %rem3A_956, %ne3A_957 : i32
      %and3A_959 = arith.andi %ne3A_955, %ne3A_958 : i1
      %sub3A_960 = arith.constant 1 : i32
      %sub3A_961 = arith.subi %div3A_940, %sub3A_960 : i32
      %select_n3A_962 = arith.select %and3A_959, %sub3A_961, %div3A_940 : i32
      %jit3A_963 = arith.constant 2 : i32
      %eq3A_964 = arith.constant 0 : i32
      %eq3A_965 = arith.cmpi eq, %jit3A_963, %eq3A_964 : i32
      %jit3A_966 = arith.constant 1 : i32
      %select_n3A_967 = arith.select %eq3A_965, %jit3A_966, %jit3A_963 : i32
      %rem3A_968 = arith.remsi %add3A_827, %select_n3A_967 : i32
      %ne3A_969 = arith.constant 0 : i32
      %ne3A_970 = arith.cmpi ne, %rem3A_968, %ne3A_969 : i32
      %lt3A_971 = arith.constant 0 : i32
      %lt3A_972 = arith.cmpi slt, %rem3A_968, %lt3A_971 : i32
      %lt3A_973 = arith.constant 0 : i32
      %lt3A_974 = arith.cmpi slt, %select_n3A_967, %lt3A_973 : i32
      %ne3A_975 = arith.xori %lt3A_972, %lt3A_974 : i1
      %and3A_976 = arith.andi %ne3A_975, %ne3A_970 : i1
      %add3A_977 = arith.addi %rem3A_968, %select_n3A_967 : i32
      %select_n3A_978 = arith.select %and3A_976, %add3A_977, %rem3A_968 : i32
      %mul3A_979 = arith.constant 256 : i32
      %mul3A_980 = arith.muli %select_n3A_978, %mul3A_979 : i32
      %dma_wait3A_981 = arith.constant 0 : i32
      %dma_wait3A_982 = tpu.memref_slice %arg5[%select_n3A_962, %dma_wait3A_981, %mul3A_980] : memref<25x2x512xi32, #tpu.memory_space<vmem>> -> memref<1x1x256xi32, #tpu.memory_space<vmem>>
      %dma_wait3A_983 = tpu.memref_squeeze %dma_wait3A_982 : memref<1x1x256xi32, #tpu.memory_space<vmem>> -> memref<256xi32, #tpu.memory_space<vmem>>
      %dma_wait3A_984 = arith.constant 0 : i32
      %dma_wait3A_985 = arith.constant 0 : i32
      %dma_wait3A_986 = tpu.memref_slice %arg3[%dma_wait3A_984, %dma_wait3A_985] : memref<1000000x64xf32, #tpu.memory_space<hbm>> -> memref<1000000x64xf32, #tpu.memory_space<hbm>>
      tpu.wait_indirect_dma semaphore(%arg12 : memref<!tpu.dma_semaphore, #tpu.memory_space<semaphore_mem>>) src(%dma_wait3A_986 : memref<1000000x64xf32, #tpu.memory_space<hbm>>) dst(%arg6 : memref<256x64xf32, #tpu.memory_space<vmem>>)
      %jit3A_987 = arith.constant 2 : i32
      %div3A_988 = arith.divsi %add3A_827, %jit3A_987 : i32
      %sign3A_989 = arith.constant 0 : i32
      %sign3A_990 = arith.cmpi sgt, %add3A_827, %sign3A_989 : i32
      %sign3A_991 = arith.extui %sign3A_990 : i1 to i32
      %sign3A_992 = arith.constant 0 : i32
      %sign3A_993 = arith.cmpi slt, %add3A_827, %sign3A_992 : i32
      %sign3A_994 = arith.extui %sign3A_993 : i1 to i32
      %sign3A_995 = arith.subi %sign3A_991, %sign3A_994 : i32
      %sign3A_996 = arith.constant 0 : i32
      %sign3A_997 = arith.cmpi sgt, %jit3A_987, %sign3A_996 : i32
      %sign3A_998 = arith.extui %sign3A_997 : i1 to i32
      %sign3A_999 = arith.constant 0 : i32
      %sign3A_1000 = arith.cmpi slt, %jit3A_987, %sign3A_999 : i32
      %sign3A_1001 = arith.extui %sign3A_1000 : i1 to i32
      %sign3A_1002 = arith.subi %sign3A_998, %sign3A_1001 : i32
      %ne3A_1003 = arith.cmpi ne, %sign3A_995, %sign3A_1002 : i32
      %rem3A_1004 = arith.remsi %add3A_827, %jit3A_987 : i32
      %ne3A_1005 = arith.constant 0 : i32
      %ne3A_1006 = arith.cmpi ne, %rem3A_1004, %ne3A_1005 : i32
      %and3A_1007 = arith.andi %ne3A_1003, %ne3A_1006 : i1
      %sub3A_1008 = arith.constant 1 : i32
      %sub3A_1009 = arith.subi %div3A_988, %sub3A_1008 : i32
      %select_n3A_1010 = arith.select %and3A_1007, %sub3A_1009, %div3A_988 : i32
      %jit3A_1011 = arith.constant 2 : i32
      %eq3A_1012 = arith.constant 0 : i32
      %eq3A_1013 = arith.cmpi eq, %jit3A_1011, %eq3A_1012 : i32
      %jit3A_1014 = arith.constant 1 : i32
      %select_n3A_1015 = arith.select %eq3A_1013, %jit3A_1014, %jit3A_1011 : i32
      %rem3A_1016 = arith.remsi %add3A_827, %select_n3A_1015 : i32
      %ne3A_1017 = arith.constant 0 : i32
      %ne3A_1018 = arith.cmpi ne, %rem3A_1016, %ne3A_1017 : i32
      %lt3A_1019 = arith.constant 0 : i32
      %lt3A_1020 = arith.cmpi slt, %rem3A_1016, %lt3A_1019 : i32
      %lt3A_1021 = arith.constant 0 : i32
      %lt3A_1022 = arith.cmpi slt, %select_n3A_1015, %lt3A_1021 : i32
      %ne3A_1023 = arith.xori %lt3A_1020, %lt3A_1022 : i1
      %and3A_1024 = arith.andi %ne3A_1023, %ne3A_1018 : i1
      %add3A_1025 = arith.addi %rem3A_1016, %select_n3A_1015 : i32
      %select_n3A_1026 = arith.select %and3A_1024, %add3A_1025, %rem3A_1016 : i32
      %mul3A_1027 = arith.constant 256 : i32
      %mul3A_1028 = arith.muli %select_n3A_1026, %mul3A_1027 : i32
      %dma_wait3A_1029 = arith.constant 1 : i32
      %dma_wait3A_1030 = tpu.memref_slice %arg5[%select_n3A_1010, %dma_wait3A_1029, %mul3A_1028] : memref<25x2x512xi32, #tpu.memory_space<vmem>> -> memref<1x1x256xi32, #tpu.memory_space<vmem>>
      %dma_wait3A_1031 = tpu.memref_squeeze %dma_wait3A_1030 : memref<1x1x256xi32, #tpu.memory_space<vmem>> -> memref<256xi32, #tpu.memory_space<vmem>>
      %dma_wait3A_1032 = arith.constant 0 : i32
      %dma_wait3A_1033 = arith.constant 0 : i32
      %dma_wait3A_1034 = tpu.memref_slice %arg3[%dma_wait3A_1032, %dma_wait3A_1033] : memref<1000000x64xf32, #tpu.memory_space<hbm>> -> memref<1000000x64xf32, #tpu.memory_space<hbm>>
      tpu.wait_indirect_dma semaphore(%arg12 : memref<!tpu.dma_semaphore, #tpu.memory_space<semaphore_mem>>) src(%dma_wait3A_1034 : memref<1000000x64xf32, #tpu.memory_space<hbm>>) dst(%arg7 : memref<256x64xf32, #tpu.memory_space<vmem>>)
      %jit3A_1035 = arith.constant 2 : i32
      %div3A_1036 = arith.divsi %add3A_827, %jit3A_1035 : i32
      %sign3A_1037 = arith.constant 0 : i32
      %sign3A_1038 = arith.cmpi sgt, %add3A_827, %sign3A_1037 : i32
      %sign3A_1039 = arith.extui %sign3A_1038 : i1 to i32
      %sign3A_1040 = arith.constant 0 : i32
      %sign3A_1041 = arith.cmpi slt, %add3A_827, %sign3A_1040 : i32
      %sign3A_1042 = arith.extui %sign3A_1041 : i1 to i32
      %sign3A_1043 = arith.subi %sign3A_1039, %sign3A_1042 : i32
      %sign3A_1044 = arith.constant 0 : i32
      %sign3A_1045 = arith.cmpi sgt, %jit3A_1035, %sign3A_1044 : i32
      %sign3A_1046 = arith.extui %sign3A_1045 : i1 to i32
      %sign3A_1047 = arith.constant 0 : i32
      %sign3A_1048 = arith.cmpi slt, %jit3A_1035, %sign3A_1047 : i32
      %sign3A_1049 = arith.extui %sign3A_1048 : i1 to i32
      %sign3A_1050 = arith.subi %sign3A_1046, %sign3A_1049 : i32
      %ne3A_1051 = arith.cmpi ne, %sign3A_1043, %sign3A_1050 : i32
      %rem3A_1052 = arith.remsi %add3A_827, %jit3A_1035 : i32
      %ne3A_1053 = arith.constant 0 : i32
      %ne3A_1054 = arith.cmpi ne, %rem3A_1052, %ne3A_1053 : i32
      %and3A_1055 = arith.andi %ne3A_1051, %ne3A_1054 : i1
      %sub3A_1056 = arith.constant 1 : i32
      %sub3A_1057 = arith.subi %div3A_1036, %sub3A_1056 : i32
      %select_n3A_1058 = arith.select %and3A_1055, %sub3A_1057, %div3A_1036 : i32
      %jit3A_1059 = arith.constant 2 : i32
      %eq3A_1060 = arith.constant 0 : i32
      %eq3A_1061 = arith.cmpi eq, %jit3A_1059, %eq3A_1060 : i32
      %jit3A_1062 = arith.constant 1 : i32
      %select_n3A_1063 = arith.select %eq3A_1061, %jit3A_1062, %jit3A_1059 : i32
      %rem3A_1064 = arith.remsi %add3A_827, %select_n3A_1063 : i32
      %ne3A_1065 = arith.constant 0 : i32
      %ne3A_1066 = arith.cmpi ne, %rem3A_1064, %ne3A_1065 : i32
      %lt3A_1067 = arith.constant 0 : i32
      %lt3A_1068 = arith.cmpi slt, %rem3A_1064, %lt3A_1067 : i32
      %lt3A_1069 = arith.constant 0 : i32
      %lt3A_1070 = arith.cmpi slt, %select_n3A_1063, %lt3A_1069 : i32
      %ne3A_1071 = arith.xori %lt3A_1068, %lt3A_1070 : i1
      %and3A_1072 = arith.andi %ne3A_1071, %ne3A_1066 : i1
      %add3A_1073 = arith.addi %rem3A_1064, %select_n3A_1063 : i32
      %select_n3A_1074 = arith.select %and3A_1072, %add3A_1073, %rem3A_1064 : i32
      %mul3A_1075 = arith.constant 256 : i32
      %mul3A_1076 = arith.muli %select_n3A_1074, %mul3A_1075 : i32
      %add3A_1077 = arith.addi %mul3A_34, %mul3A_1076 : i32
      %add3A_1078 = arith.addi %mul3A_32, %select_n3A_1058 : i32
      %dma_start3A_1079 = arith.constant 0 : i32
      %dma_start3A_1080 = tpu.memref_slice %arg4[%add3A_1078, %add3A_1077, %dma_start3A_1079] : memref<200x2048x128xf32, #tpu.memory_space<hbm>> -> memref<1x256x64xf32, #tpu.memory_space<hbm>>
      %dma_start3A_1081 = tpu.memref_squeeze %dma_start3A_1080 : memref<1x256x64xf32, #tpu.memory_space<hbm>> -> memref<256x64xf32, #tpu.memory_space<hbm>>
      %dma_start3A_1082 = arith.constant 0 : i32
      %dma_start3A_1083 = tpu.memref_slice %arg4[%add3A_1078, %add3A_1077, %dma_start3A_1082] : memref<200x2048x128xf32, #tpu.memory_space<hbm>> -> memref<1x256x64xf32, #tpu.memory_space<hbm>>
      %dma_start3A_1084 = tpu.memref_squeeze %dma_start3A_1083 : memref<1x256x64xf32, #tpu.memory_space<hbm>> -> memref<256x64xf32, #tpu.memory_space<hbm>>
      tpu.enqueue_dma source(%arg6 : memref<256x64xf32, #tpu.memory_space<vmem>>) target(%dma_start3A_1084 : memref<256x64xf32, #tpu.memory_space<hbm>>) target_semaphore(%arg15 : memref<!tpu.dma_semaphore, #tpu.memory_space<semaphore_mem>>)
      %jit3A_1085 = arith.constant 2 : i32
      %div3A_1086 = arith.divsi %add3A_827, %jit3A_1085 : i32
      %sign3A_1087 = arith.constant 0 : i32
      %sign3A_1088 = arith.cmpi sgt, %add3A_827, %sign3A_1087 : i32
      %sign3A_1089 = arith.extui %sign3A_1088 : i1 to i32
      %sign3A_1090 = arith.constant 0 : i32
      %sign3A_1091 = arith.cmpi slt, %add3A_827, %sign3A_1090 : i32
      %sign3A_1092 = arith.extui %sign3A_1091 : i1 to i32
      %sign3A_1093 = arith.subi %sign3A_1089, %sign3A_1092 : i32
      %sign3A_1094 = arith.constant 0 : i32
      %sign3A_1095 = arith.cmpi sgt, %jit3A_1085, %sign3A_1094 : i32
      %sign3A_1096 = arith.extui %sign3A_1095 : i1 to i32
      %sign3A_1097 = arith.constant 0 : i32
      %sign3A_1098 = arith.cmpi slt, %jit3A_1085, %sign3A_1097 : i32
      %sign3A_1099 = arith.extui %sign3A_1098 : i1 to i32
      %sign3A_1100 = arith.subi %sign3A_1096, %sign3A_1099 : i32
      %ne3A_1101 = arith.cmpi ne, %sign3A_1093, %sign3A_1100 : i32
      %rem3A_1102 = arith.remsi %add3A_827, %jit3A_1085 : i32
      %ne3A_1103 = arith.constant 0 : i32
      %ne3A_1104 = arith.cmpi ne, %rem3A_1102, %ne3A_1103 : i32
      %and3A_1105 = arith.andi %ne3A_1101, %ne3A_1104 : i1
      %sub3A_1106 = arith.constant 1 : i32
      %sub3A_1107 = arith.subi %div3A_1086, %sub3A_1106 : i32
      %select_n3A_1108 = arith.select %and3A_1105, %sub3A_1107, %div3A_1086 : i32
      %jit3A_1109 = arith.constant 2 : i32
      %eq3A_1110 = arith.constant 0 : i32
      %eq3A_1111 = arith.cmpi eq, %jit3A_1109, %eq3A_1110 : i32
      %jit3A_1112 = arith.constant 1 : i32
      %select_n3A_1113 = arith.select %eq3A_1111, %jit3A_1112, %jit3A_1109 : i32
      %rem3A_1114 = arith.remsi %add3A_827, %select_n3A_1113 : i32
      %ne3A_1115 = arith.constant 0 : i32
      %ne3A_1116 = arith.cmpi ne, %rem3A_1114, %ne3A_1115 : i32
      %lt3A_1117 = arith.constant 0 : i32
      %lt3A_1118 = arith.cmpi slt, %rem3A_1114, %lt3A_1117 : i32
      %lt3A_1119 = arith.constant 0 : i32
      %lt3A_1120 = arith.cmpi slt, %select_n3A_1113, %lt3A_1119 : i32
      %ne3A_1121 = arith.xori %lt3A_1118, %lt3A_1120 : i1
      %and3A_1122 = arith.andi %ne3A_1121, %ne3A_1116 : i1
      %add3A_1123 = arith.addi %rem3A_1114, %select_n3A_1113 : i32
      %select_n3A_1124 = arith.select %and3A_1122, %add3A_1123, %rem3A_1114 : i32
      %mul3A_1125 = arith.constant 256 : i32
      %mul3A_1126 = arith.muli %select_n3A_1124, %mul3A_1125 : i32
      %add3A_1127 = arith.addi %mul3A_34, %mul3A_1126 : i32
      %add3A_1128 = arith.addi %mul3A_32, %select_n3A_1108 : i32
      %dma_start3A_1129 = arith.constant 64 : i32
      %dma_start3A_1130 = tpu.memref_slice %arg4[%add3A_1128, %add3A_1127, %dma_start3A_1129] : memref<200x2048x128xf32, #tpu.memory_space<hbm>> -> memref<1x256x64xf32, #tpu.memory_space<hbm>>
      %dma_start3A_1131 = tpu.memref_squeeze %dma_start3A_1130 : memref<1x256x64xf32, #tpu.memory_space<hbm>> -> memref<256x64xf32, #tpu.memory_space<hbm>>
      %dma_start3A_1132 = arith.constant 64 : i32
      %dma_start3A_1133 = tpu.memref_slice %arg4[%add3A_1128, %add3A_1127, %dma_start3A_1132] : memref<200x2048x128xf32, #tpu.memory_space<hbm>> -> memref<1x256x64xf32, #tpu.memory_space<hbm>>
      %dma_start3A_1134 = tpu.memref_squeeze %dma_start3A_1133 : memref<1x256x64xf32, #tpu.memory_space<hbm>> -> memref<256x64xf32, #tpu.memory_space<hbm>>
      tpu.enqueue_dma source(%arg7 : memref<256x64xf32, #tpu.memory_space<vmem>>) target(%dma_start3A_1134 : memref<256x64xf32, #tpu.memory_space<hbm>>) target_semaphore(%arg15 : memref<!tpu.dma_semaphore, #tpu.memory_space<semaphore_mem>>)
    }
    %scan3A_121 = arith.constant 16 : i32
    %add3A_122 = arith.constant 0 : i32
    %add3A_123 = arith.addi %mul3A_34, %add3A_122 : i32
    %add3A_124 = arith.constant 24 : i32
    %add3A_125 = arith.addi %mul3A_32, %add3A_124 : i32
    %dma_wait3A_126 = arith.constant 0 : i32
    %dma_wait3A_127 = tpu.memref_slice %arg4[%add3A_125, %add3A_123, %dma_wait3A_126] : memref<200x2048x128xf32, #tpu.memory_space<hbm>> -> memref<1x256x64xf32, #tpu.memory_space<hbm>>
    %dma_wait3A_128 = tpu.memref_squeeze %dma_wait3A_127 : memref<1x256x64xf32, #tpu.memory_space<hbm>> -> memref<256x64xf32, #tpu.memory_space<hbm>>
    %dma_wait3A_129 = arith.constant 0 : i32
    %dma_wait3A_130 = tpu.memref_slice %arg4[%add3A_125, %add3A_123, %dma_wait3A_129] : memref<200x2048x128xf32, #tpu.memory_space<hbm>> -> memref<1x256x64xf32, #tpu.memory_space<hbm>>
    %dma_wait3A_131 = tpu.memref_squeeze %dma_wait3A_130 : memref<1x256x64xf32, #tpu.memory_space<hbm>> -> memref<256x64xf32, #tpu.memory_space<hbm>>
    tpu.wait_dma2 semaphore(%arg15 : memref<!tpu.dma_semaphore, #tpu.memory_space<semaphore_mem>>) src(%arg6 : memref<256x64xf32, #tpu.memory_space<vmem>>) dst(%dma_wait3A_131 : memref<256x64xf32, #tpu.memory_space<hbm>>)
    %add3A_132 = arith.constant 0 : i32
    %add3A_133 = arith.addi %mul3A_34, %add3A_132 : i32
    %add3A_134 = arith.constant 24 : i32
    %add3A_135 = arith.addi %mul3A_32, %add3A_134 : i32
    %dma_wait3A_136 = arith.constant 64 : i32
    %dma_wait3A_137 = tpu.memref_slice %arg4[%add3A_135, %add3A_133, %dma_wait3A_136] : memref<200x2048x128xf32, #tpu.memory_space<hbm>> -> memref<1x256x64xf32, #tpu.memory_space<hbm>>
    %dma_wait3A_138 = tpu.memref_squeeze %dma_wait3A_137 : memref<1x256x64xf32, #tpu.memory_space<hbm>> -> memref<256x64xf32, #tpu.memory_space<hbm>>
    %dma_wait3A_139 = arith.constant 64 : i32
    %dma_wait3A_140 = tpu.memref_slice %arg4[%add3A_135, %add3A_133, %dma_wait3A_139] : memref<200x2048x128xf32, #tpu.memory_space<hbm>> -> memref<1x256x64xf32, #tpu.memory_space<hbm>>
    %dma_wait3A_141 = tpu.memref_squeeze %dma_wait3A_140 : memref<1x256x64xf32, #tpu.memory_space<hbm>> -> memref<256x64xf32, #tpu.memory_space<hbm>>
    tpu.wait_dma2 semaphore(%arg15 : memref<!tpu.dma_semaphore, #tpu.memory_space<semaphore_mem>>) src(%arg7 : memref<256x64xf32, #tpu.memory_space<vmem>>) dst(%dma_wait3A_141 : memref<256x64xf32, #tpu.memory_space<hbm>>)
    %dma_wait3A_142 = arith.constant 24 : i32
    %dma_wait3A_143 = arith.constant 0 : i32
    %dma_wait3A_144 = arith.constant 256 : i32
    %dma_wait3A_145 = tpu.memref_slice %arg5[%dma_wait3A_142, %dma_wait3A_143, %dma_wait3A_144] : memref<25x2x512xi32, #tpu.memory_space<vmem>> -> memref<1x1x256xi32, #tpu.memory_space<vmem>>
    %dma_wait3A_146 = tpu.memref_squeeze %dma_wait3A_145 : memref<1x1x256xi32, #tpu.memory_space<vmem>> -> memref<256xi32, #tpu.memory_space<vmem>>
    %dma_wait3A_147 = arith.constant 0 : i32
    %dma_wait3A_148 = arith.constant 0 : i32
    %dma_wait3A_149 = tpu.memref_slice %arg3[%dma_wait3A_147, %dma_wait3A_148] : memref<1000000x64xf32, #tpu.memory_space<hbm>> -> memref<1000000x64xf32, #tpu.memory_space<hbm>>
    tpu.wait_indirect_dma semaphore(%arg13 : memref<!tpu.dma_semaphore, #tpu.memory_space<semaphore_mem>>) src(%dma_wait3A_149 : memref<1000000x64xf32, #tpu.memory_space<hbm>>) dst(%arg8 : memref<256x64xf32, #tpu.memory_space<vmem>>)
    %dma_wait3A_150 = arith.constant 24 : i32
    %dma_wait3A_151 = arith.constant 1 : i32
    %dma_wait3A_152 = arith.constant 256 : i32
    %dma_wait3A_153 = tpu.memref_slice %arg5[%dma_wait3A_150, %dma_wait3A_151, %dma_wait3A_152] : memref<25x2x512xi32, #tpu.memory_space<vmem>> -> memref<1x1x256xi32, #tpu.memory_space<vmem>>
    %dma_wait3A_154 = tpu.memref_squeeze %dma_wait3A_153 : memref<1x1x256xi32, #tpu.memory_space<vmem>> -> memref<256xi32, #tpu.memory_space<vmem>>
    %dma_wait3A_155 = arith.constant 0 : i32
    %dma_wait3A_156 = arith.constant 0 : i32
    %dma_wait3A_157 = tpu.memref_slice %arg3[%dma_wait3A_155, %dma_wait3A_156] : memref<1000000x64xf32, #tpu.memory_space<hbm>> -> memref<1000000x64xf32, #tpu.memory_space<hbm>>
    tpu.wait_indirect_dma semaphore(%arg13 : memref<!tpu.dma_semaphore, #tpu.memory_space<semaphore_mem>>) src(%dma_wait3A_157 : memref<1000000x64xf32, #tpu.memory_space<hbm>>) dst(%arg9 : memref<256x64xf32, #tpu.memory_space<vmem>>)
    %add3A_158 = arith.constant 256 : i32
    %add3A_159 = arith.addi %mul3A_34, %add3A_158 : i32
    %add3A_160 = arith.constant 24 : i32
    %add3A_161 = arith.addi %mul3A_32, %add3A_160 : i32
    %dma_start3A_162 = arith.constant 0 : i32
    %dma_start3A_163 = tpu.memref_slice %arg4[%add3A_161, %add3A_159, %dma_start3A_162] : memref<200x2048x128xf32, #tpu.memory_space<hbm>> -> memref<1x256x64xf32, #tpu.memory_space<hbm>>
    %dma_start3A_164 = tpu.memref_squeeze %dma_start3A_163 : memref<1x256x64xf32, #tpu.memory_space<hbm>> -> memref<256x64xf32, #tpu.memory_space<hbm>>
    %dma_start3A_165 = arith.constant 0 : i32
    %dma_start3A_166 = tpu.memref_slice %arg4[%add3A_161, %add3A_159, %dma_start3A_165] : memref<200x2048x128xf32, #tpu.memory_space<hbm>> -> memref<1x256x64xf32, #tpu.memory_space<hbm>>
    %dma_start3A_167 = tpu.memref_squeeze %dma_start3A_166 : memref<1x256x64xf32, #tpu.memory_space<hbm>> -> memref<256x64xf32, #tpu.memory_space<hbm>>
    tpu.enqueue_dma source(%arg8 : memref<256x64xf32, #tpu.memory_space<vmem>>) target(%dma_start3A_167 : memref<256x64xf32, #tpu.memory_space<hbm>>) target_semaphore(%arg16 : memref<!tpu.dma_semaphore, #tpu.memory_space<semaphore_mem>>)
    %add3A_168 = arith.constant 256 : i32
    %add3A_169 = arith.addi %mul3A_34, %add3A_168 : i32
    %add3A_170 = arith.constant 24 : i32
    %add3A_171 = arith.addi %mul3A_32, %add3A_170 : i32
    %dma_start3A_172 = arith.constant 64 : i32
    %dma_start3A_173 = tpu.memref_slice %arg4[%add3A_171, %add3A_169, %dma_start3A_172] : memref<200x2048x128xf32, #tpu.memory_space<hbm>> -> memref<1x256x64xf32, #tpu.memory_space<hbm>>
    %dma_start3A_174 = tpu.memref_squeeze %dma_start3A_173 : memref<1x256x64xf32, #tpu.memory_space<hbm>> -> memref<256x64xf32, #tpu.memory_space<hbm>>
    %dma_start3A_175 = arith.constant 64 : i32
    %dma_start3A_176 = tpu.memref_slice %arg4[%add3A_171, %add3A_169, %dma_start3A_175] : memref<200x2048x128xf32, #tpu.memory_space<hbm>> -> memref<1x256x64xf32, #tpu.memory_space<hbm>>
    %dma_start3A_177 = tpu.memref_squeeze %dma_start3A_176 : memref<1x256x64xf32, #tpu.memory_space<hbm>> -> memref<256x64xf32, #tpu.memory_space<hbm>>
    tpu.enqueue_dma source(%arg9 : memref<256x64xf32, #tpu.memory_space<vmem>>) target(%dma_start3A_177 : memref<256x64xf32, #tpu.memory_space<hbm>>) target_semaphore(%arg16 : memref<!tpu.dma_semaphore, #tpu.memory_space<semaphore_mem>>)
    %add3A_178 = arith.constant 256 : i32
    %add3A_179 = arith.addi %mul3A_34, %add3A_178 : i32
    %add3A_180 = arith.constant 24 : i32
    %add3A_181 = arith.addi %mul3A_32, %add3A_180 : i32
    %dma_wait3A_182 = arith.constant 0 : i32
    %dma_wait3A_183 = tpu.memref_slice %arg4[%add3A_181, %add3A_179, %dma_wait3A_182] : memref<200x2048x128xf32, #tpu.memory_space<hbm>> -> memref<1x256x64xf32, #tpu.memory_space<hbm>>
    %dma_wait3A_184 = tpu.memref_squeeze %dma_wait3A_183 : memref<1x256x64xf32, #tpu.memory_space<hbm>> -> memref<256x64xf32, #tpu.memory_space<hbm>>
    %dma_wait3A_185 = arith.constant 0 : i32
    %dma_wait3A_186 = tpu.memref_slice %arg4[%add3A_181, %add3A_179, %dma_wait3A_185] : memref<200x2048x128xf32, #tpu.memory_space<hbm>> -> memref<1x256x64xf32, #tpu.memory_space<hbm>>
    %dma_wait3A_187 = tpu.memref_squeeze %dma_wait3A_186 : memref<1x256x64xf32, #tpu.memory_space<hbm>> -> memref<256x64xf32, #tpu.memory_space<hbm>>
    tpu.wait_dma2 semaphore(%arg16 : memref<!tpu.dma_semaphore, #tpu.memory_space<semaphore_mem>>) src(%arg8 : memref<256x64xf32, #tpu.memory_space<vmem>>) dst(%dma_wait3A_187 : memref<256x64xf32, #tpu.memory_space<hbm>>)
    %add3A_188 = arith.constant 256 : i32
    %add3A_189 = arith.addi %mul3A_34, %add3A_188 : i32
    %add3A_190 = arith.constant 24 : i32
    %add3A_191 = arith.addi %mul3A_32, %add3A_190 : i32
    %dma_wait3A_192 = arith.constant 64 : i32
    %dma_wait3A_193 = tpu.memref_slice %arg4[%add3A_191, %add3A_189, %dma_wait3A_192] : memref<200x2048x128xf32, #tpu.memory_space<hbm>> -> memref<1x256x64xf32, #tpu.memory_space<hbm>>
    %dma_wait3A_194 = tpu.memref_squeeze %dma_wait3A_193 : memref<1x256x64xf32, #tpu.memory_space<hbm>> -> memref<256x64xf32, #tpu.memory_space<hbm>>
    %dma_wait3A_195 = arith.constant 64 : i32
    %dma_wait3A_196 = tpu.memref_slice %arg4[%add3A_191, %add3A_189, %dma_wait3A_195] : memref<200x2048x128xf32, #tpu.memory_space<hbm>> -> memref<1x256x64xf32, #tpu.memory_space<hbm>>
    %dma_wait3A_197 = tpu.memref_squeeze %dma_wait3A_196 : memref<1x256x64xf32, #tpu.memory_space<hbm>> -> memref<256x64xf32, #tpu.memory_space<hbm>>
    tpu.wait_dma2 semaphore(%arg16 : memref<!tpu.dma_semaphore, #tpu.memory_space<semaphore_mem>>) src(%arg9 : memref<256x64xf32, #tpu.memory_space<vmem>>) dst(%dma_wait3A_197 : memref<256x64xf32, #tpu.memory_space<hbm>>)
    return
  }
}

</mosaic_0001>

<sc_bundles>
// kernel: kernel.3.cloned.1.call-start
scs
__scs_entry_jumppad:
0x0: {  	(pc) =	sbr.rel $0x88, $3  }
0x1: {  	(tag) =	ssettag $0x0;
	lr =	simm.s32 $0x1  }
0x2: {  	[smem:$0x3F9F] =	sst lr;
	_ =	strace $0xD0000000  }
0x3: {  	_ = 	snop  }
0x4: {  	_ = 	snop  }
0x5: {  	_ = 	snop  }
0x6: {  	_ = 	snop  }
0x7: {  	_ = 	snop  }
__scs_overlays_trampoline_lowered:
0x8: {  	[smem:$0x3FAE] =	sst s0  }
0x9: {  	[smem:$0x3FAF] =	sst s1  }
0xa: {  	[smem:$0x3FB0] =	sst s2  }
0xb: {  	[smem:$0x3FB1] =	sst s3  }
0xc: {  	[smem:$0x3FB2] =	sst s4  }
0xd: {  	[smem:$0x3FB3] =	sst s5  }
0xe: {  	[smem:$0x3FB4] =	sst s6  }
0xf: {  	[smem:$0x3FB5] =	sst s7  }
0x10: {  	[smem:$0x3FB6] =	sst s8  }
0x11: {  	[smem:$0x3FB7] =	sst s9;
	s0 =	simm.s32 @!p0 $0x0  }
0x12: {  	s1 =	sld [smem:$0x3F9D];
	s0 =	simm.s32 @p0 $0x1  }
0x13: {  	[smem:$0x3FB8] =	sst s0;
	s0 =	simm.s32 @!p1 $0x0  }
0x14: {  	s2 =	sld [smem:$0x3F9C];
	s0 =	simm.s32 @p1 $0x1  }
0x15: {  	[smem:$0x3FB9] =	sst s0;
	s0 =	simm.s32 @!p2 $0x0  }
0x16: {  	s3 =	sld [smem:$0x3FDB];
	s0 =	simm.s32 @p2 $0x1  }
0x17: {  	s4 =	simm.s32 $0x1BF5;
	[smem:$0x3FBB] =	sst s0  }
0x18: {  	s0 =	sld [smem:$0x3F9E];
	_ =	swait.ge [sflag:s4], $0x0  }
0x19: {  	s7 =	sld [smem:$0x3F9F]  }
0x1a: {  	s8 =	sadd.s32 $0xFFFFE003, lr  }
0x1b: {  	s9 =	sadd.s32 $0xFFFFFEF7, lr;
	s5 =	simm.s32 $0xFFFFFFFF;
	p2 =	slt.u32 s8, $0xFFFFF086  }
0x1c: {  	p1 =	slt.u32 s9, $0xF7A;
	s5 =	simm.s32 @!p2 $0x0  }
0x1d: {  	s5 =	simm.s32 @p1 $0x1;
	p0 =	seq.s32 s7, s2  }
0x1e: {  	s7 =	smul.u32 @!p0 $0xF7A, s2;
	p2 =	seq.s32 @!p0 s5, $0x0  }
0x1f: {  	s9 =	smul.u32 $0xF7A, s1;
	s8 =	simm.s32 @!p0 $0x1BF5;
	p2 =	por !p2, p0  }
0x20: {  	[sflag:s8] =	ssyncset.s32 @!p0 $0xFFFFF086;
	s6 =	sadd.s32 @!p0 s3, s7;
	s7 =	simm.s32 @!p0 $0x108  }
0x21: {  	s3 =	sadd.s32 s3, s9;
	s6 =	sadd.s32 @!p0 $0x88, s6;
	s7 =	simm.s32 @p2 $0x1082  }
0x22: {  	[simem:s7], [sflag:s8] =	dma.local @!p0 [hbm:s6], $0xF7A  }
0x23: {  	s9 =	sor.u32 $0xD0000000, s2;
	s6 =	simm.s32 $0x108;
	_ =	swait.ge @!p0 [sflag:s8], $0x0  }
0x24: {  	s3 =	sadd.s32 $0x88, s3;
	s6 =	simm.s32 @!p1 $0x1082;
	[sflag:s4] =	ssyncset.s32 $0xFFFFF086  }
0x25: {  	[simem:s6], [sflag:s4] =	dma.local [hbm:s3], $0xF7A  }
0x26: {  	[smem:$0x3F9F] =	sst s1;
	(tag) =	ssettag s2;
	_ =	strace s9  }
0x27: {  	s1 =	sld [smem:$0x3FAF]  }
0x28: {  	s2 =	sld [smem:$0x3FB0]  }
0x29: {  	s4 =	sld [smem:$0x3FB2]  }
0x2a: {  	p0 =	seq.s32 s5, $0x0;
	s5 =	sld [smem:$0x3FB3]  }
0x2b: {  	s6 =	sld [smem:$0x3FB4]  }
0x2c: {  	s7 =	sld [smem:$0x3FB5]  }
0x2d: {  	s3 =	simm.s32 $0x108;
	s8 =	sld [smem:$0x3FB6]  }
0x2e: {  	s3 =	simm.s32 @!p0 $0x1082;
	s9 =	sld [smem:$0x3FB7]  }
0x2f: {  	lr =	sadd.s32 s0, s3;
	s0 =	sld [smem:$0x3FAE]  }
0x30: {  	s3 =	sld [smem:$0x3FB1]  }
0x31: {  	[smem:$0x3FBA] =	sst s10  }
0x32: {  	s10 =	sld [smem:$0x3FB8];
	_ =	sdelay $0x3  }
0x33: {  	p0 =	seq.s32 s10, $0x1;
	s10 =	sld [smem:$0x3FBA];
	_ =	sdelay $0x3  }
0x34: {  	[smem:$0x3FBA] =	sst s10  }
0x35: {  	s10 =	sld [smem:$0x3FB9];
	_ =	sdelay $0x3  }
0x36: {  	p1 =	seq.s32 s10, $0x1;
	s10 =	sld [smem:$0x3FBA];
	_ =	sdelay $0x3  }
0x37: {  	[smem:$0x3FBA] =	sst s10  }
0x38: {  	s10 =	sld [smem:$0x3FBB]  }
0x39: {  	_ = 	snop;
	(pc) =	sbr.ind lr, $3  }
0x3a: {  	_ = 	snop  }
0x3b: {  	_ = 	snop  }
0x3c: {  	p2 =	seq.s32 s10, $0x1;
	s10 =	sld [smem:$0x3FBA]  }
0x3d: {  	_ =	shalt  }
0x3e: {  	_ =	shalt  }
0x3f: {  	_ =	shalt  }
0x40: {  	_ =	shalt  }
0x41: {  	_ =	shalt  }
0x42: {  	_ =	shalt  }
0x43: {  	_ =	shalt  }
0x44: {  	_ =	shalt  }
0x45: {  	_ =	shalt  }
0x46: {  	_ =	shalt  }
0x47: {  	_ =	shalt  }
0x48: {  	_ =	shalt  }
0x49: {  	_ =	shalt  }
0x4a: {  	_ =	shalt  }
0x4b: {  	_ =	shalt  }
0x4c: {  	_ =	shalt  }
0x4d: {  	_ =	shalt  }
0x4e: {  	_ =	shalt  }
0x4f: {  	_ =	shalt  }
0x50: {  	_ =	shalt  }
0x51: {  	_ =	shalt  }
0x52: {  	_ =	shalt  }
0x53: {  	_ =	shalt  }
0x54: {  	_ =	shalt  }
0x55: {  	_ =	shalt  }
0x56: {  	_ =	shalt  }
0x57: {  	_ =	shalt  }
0x58: {  	_ =	shalt  }
0x59: {  	_ =	shalt  }
0x5a: {  	_ =	shalt  }
0x5b: {  	_ =	shalt  }
0x5c: {  	_ =	shalt  }
0x5d: {  	_ =	shalt  }
0x5e: {  	_ =	shalt  }
0x5f: {  	_ =	shalt  }
0x60: {  	_ =	shalt  }
0x61: {  	_ =	shalt  }
0x62: {  	_ =	shalt  }
0x63: {  	_ =	shalt  }
0x64: {  	_ =	shalt  }
0x65: {  	_ =	shalt  }
0x66: {  	_ =	shalt  }
0x67: {  	_ =	shalt  }
0x68: {  	_ =	shalt  }
0x69: {  	_ =	shalt  }
0x6a: {  	_ =	shalt  }
0x6b: {  	_ =	shalt  }
0x6c: {  	_ =	shalt  }
0x6d: {  	_ =	shalt  }
0x6e: {  	_ =	shalt  }
0x6f: {  	_ =	shalt  }
0x70: {  	_ =	shalt  }
0x71: {  	_ =	shalt  }
0x72: {  	_ =	shalt  }
0x73: {  	_ =	shalt  }
0x74: {  	_ =	shalt  }
0x75: {  	_ =	shalt  }
0x76: {  	_ =	shalt  }
0x77: {  	_ =	shalt  }
0x78: {  	_ =	shalt  }
0x79: {  	_ =	shalt  }
0x7a: {  	_ =	shalt  }
0x7b: {  	_ =	shalt  }
0x7c: {  	_ =	shalt  }
0x7d: {  	_ =	shalt  }
0x7e: {  	_ =	shalt  }
0x7f: {  	_ =	shalt  }
0x80: {  	_ =	shalt  }
0x81: {  	_ =	shalt  }
0x82: {  	_ =	shalt  }
0x83: {  	_ =	shalt  }
0x84: {  	_ =	shalt  }
0x85: {  	_ =	shalt  }
0x86: {  	_ =	shalt  }
0x87: {  	_ =	shalt  }
.Lfunc_end0:
.L_simem_size_0:
called_computation.2_lowered:
.L_overlay_start_0:
0x88: {  	s2 =	sld [smem:$0x3FD9]  }
0x89: {  	s3 =	sld [smem:$0x3FFE];
	_ =	sdelay $0x1  }
0x8a: {  	s1 =	srdreg.scid  }
0x8b: {  	s0 =	sand.u32 $0x1, s1  }
0x8c: {  	s17 =	sshll.u32 s0, $0xA;
	s2 =	sadd.s32 s3, s2  }
0x8d: {  	s2 =	sadd.s32 s2, s17  }
0x8e: {  	[smem:$0x3FC6] =	sst s2  }
0x8f: {  	_ = 	snop  }
0x90: {  	s2 =	sld [smem:$0x3FD0];
	(tm) =	ssettm $0x1  }
0x91: {  	s18 =	sld [smem:$0x3FFB];
	_ =	sdelay $0x3  }
0x92: {  	_ =	strace s18  }
0x93: {  	s3 =	sld [smem:$0x3FFC];
	_ =	sdelay $0x3  }
0x94: {  	_ =	strace s3  }
0x95: {  	s3 =	sld [smem:$0x3FFD];
	_ =	sdelay $0x3  }
0x96: {  	_ =	strace s3  }
0x97: {  	_ =	strace $0x8FFFFFFF  }
0x98: {  	s19 =	sld [smem:$0x3FDB];
	_ =	sdelay $0x1  }
0x99: {  	s4 =	simm.s32 $_scs_section_size  }
0x9a: {  	s5 =	simm.s32 $_size__tile_overlayer_lowered;
	s6 =	simm.s32 $_tile_overlayer_lowered  }
0x9b: {  	s22 =	simm.s32 $0x1BFF;
	s21 =	sshll.u32 s6, $0x1;
	s3 =	sadd.s32 s4, s19  }
0x9c: {  	s7 =	simm.s32 $0x0;
	s20 =	sshll.u32 s5, $0x1;
	s5 =	sadd.s32 s21, s3  }
0x9d: {  	[timem:s7], [sflag:s22] =	dma.local [hbm:s5], s20  }
0x9e: {  	_ =	swait.ge [sflag:s22], s20  }
0x9f: {  	s4 =	ssub.s32 $0x0, s20;
	[sflag:s22] =	ssyncset.done $0x0  }
0xa0: {  	[sflag:s22] =	ssyncadd.s32 s4;
	_ =	sdelay $0x1  }
0xa1: {  	s23 =	simm.s32 $0x1B8B  }
0xa2: {  	_ =	swait.ge [sflag:s23], $0x1  }
0xa3: {  	[sflag:s23] =	ssyncset.done $0x0  }
0xa4: {  	s25 =	simm.s32 $0x1B8E;
	s24 =	sld [smem:$0x3FFE];
	[sflag:s23] =	ssyncadd.s32 $0xFFFFFFFF  }
0xa5: {  	s26 =	simm.s32 $execute0_lowered;
	[smem:$0x3FD2] =	sst s25  }
0xa6: {  	s5 =	sshll.u32 s26, $0x1;
	_ =	strace $0x80000046;
	[dreg:$0x1] =	wrdreg $0xFFFFFFFF  }
0xa7: {  	s28 =	simm.s32 $_size_execute0_lowered;
	s3 =	sadd.s32 s3, s5;
	[dreg:$0x0] =	wrdreg $0x0  }
0xa8: {  	s5 =	sshll.u32 s28, $0x1;
	[dreg:$0x2] =	wrdreg s3  }
0xa9: {  	[dreg:$0x3] =	wrdreg s5  }
0xaa: {  	[dreg:$0x4] =	wrdreg $0xC0  }
0xab: {  	_ =	task [dreg:s7], $0x5FFFF  }
0xac: {  	[dreg:$0x1] =	wrdreg $0xFFFFFFFF  }
0xad: {  	[dreg:$0x0] =	wrdreg $0x60  }
0xae: {  	[dreg:$0x2] =	wrdreg s24  }
0xaf: {  	[dreg:$0x3] =	wrdreg s2  }
0xb0: {  	[dreg:$0x4] =	wrdreg $0x9  }
0xb1: {  	_ =	task.clear_ibuf [dreg:s7], $0x5FFFF;
	_ =	strace $0x90000046  }
0xb2: {  	s29 =	simm.s32 $0x9;
	_ =	strace $0x80000048  }
0xb3: {  	_ =	swait.ge [sflag:s29], $0x1  }
0xb4: {  	[sflag:s29] =	ssyncadd.s32 $0xFFFFFFFF  }
0xb5: {  	_ =	strace $0x90000048  }
0xb6: {  	_ =	sfence  }
0xb7: {  	s30 =	sld [smem:$0x0];
	_ =	sdelay $0x2  }
0xb8: {  	s31 =	sshll.u32 s1, $0xD;
	s1 =	sshrl.u32 s1, $0x2  }
0xb9: {  	s3 =	sand.u32 $0x4000, s31;
	s1 =	sadd.s32 s1, s30  }
0xba: {  	s0 =	sor.u32 s3, s0;
	s1 =	sshll.u32 s1, $0x11  }
0xbb: {  	s0 =	sor.u32 s1, s0  }
0xbc: {  	s0 =	sadd.s32 $0x8F2B, s0  }
0xbd: {  	[sflag:s0] =	ssyncadd.remote.s32 $0x1  }
0xbe: {  	_ =	sfence.sel $0xFFFF  }
0xbf: {  	[dreg:$0x0] =	wrdreg $0xFFFFFFFF;
	(pc) =	sbr.abs _section_cstart, $3  }
0xc0: {  	[dreg:$0x1] =	wrdreg $0xFFFFFFFF  }
0xc1: {  	_ =	task.clear_ibuf [dreg:s7], $0x2FFFF;
	_ =	strace $0x9FFFFFFF  }
0xc2: {  	(tm) =	ssettm $0x7FFFFFFF  }
0xc3: {  	_ =	shalt  }
tec
execute0_lowered:
.L_overlay_start_1:
0x0: {  	(tag) =	ssettag $0x1  }
0x1: {  	s0 =	rddreg [dreg:$0x0]  }
0x2: {  	s2 =	rddreg [dreg:$0x1]  }
0x3: {  	s4 =	stileid.u32;
	s1 =	srdreg.scid  }
0x4: {  	s19 =	simm.s32 $0x0;
	s17 =	simm.s32 $0x100;
	s28 =	simm.s32 $0x1  }
0x5: {  	s29 =	simm.s32 $0x40;
	s30 =	simm.s32 $0x80;
	s31 =	simm.s32 $0x4  }
0x6: {  	s15 =	simm.s32 $0x3;
	s3 =	sshll.u32 s4, $0x1;
	s6 =	sshrl.u32 s4, $0x1  }
0x7: {  	s1 =	sand.u32 $0x1, s1;
	[smem:$0x7FF] =	sst s19;
	s7 =	smul.u32 $0x19000, s6  }
0x8: {  	s19 =	simm.s32 $0xA400;
	s18 =	sand.u32 $0x2, s3;
	s8 =	smul.u32 $0x640000, s6  }
0x9: {  	_ =	strace $0x80000047;
	s6 =	smul.u32 $0x19, s6;
	s5 =	sor.u32 s1, s18  }
0xa: {  	s1 =	ssub.s32 $0x2, s1;
	s18 =	simm.s32 $0x6400;
	s4 =	sshll.u32 s5, $0x9  }
0xb: {  	s5 =	sshll.u32 s5, $0x10;
	s9 =	sshrl.u32 s1, $0x1;
	s7 =	sor.u32 s7, s4  }
0xc: {  	s8 =	sor.u32 s8, s5;
	s5 =	sadd.s32 $0xF43200, s0;
	s20 =	ssub.s32 s1, s9  }
0xd: {  	s7 =	sshrl.u32 s7, $0x3;
	s21 =	sadd.s32 $0x600000, s8;
	s23 =	sshrl.u32 s8, $0x3  }
0xe: {  	s8 =	sadd.s32 $0x8, s2;
	s7 =	sadd.s32 s7, s0;
	s1 =	sshrl.u32 s21, $0x3  }
0xf: {  	s24 =	sadd.s32 s2, s23;
	s25 =	sadd.s32 s23, s8;
	s0 =	smax.u32 s20, $0x1  }
0x10: {  	s20 =	simm.s32 $0xE400;
	s21 =	simm.s32 $0x6;
	[dreg:$0x4] =	wrdreg s24  }
0x11: {  	s23 =	simm.s32 $0x0;
	s22 =	sadd.s32 $0xE00, s7;
	[dreg:$0x5] =	wrdreg s25  }
0x12: {  	s1 =	sor.u32 $0x1000, s1;
	[dreg:$0x8] =	wrdreg s0;
	s24 =	simm.s32 $0x16400  }
0x13: {  	s0 =	simm.s32 $0x2;
	[dreg:$0x3] =	wrdreg s22;
	s26 =	sadd.s32 s2, s1  }
0x14: {  	s1 =	sadd.s32 s1, s8;
	s22 =	simm.s32 $0x12400;
	[dreg:$0x6] =	wrdreg s26  }
0x15: {  	[dreg:$0x7] =	wrdreg s1;
	s26 =	simm.s32 $0x1A400;
	s1 =	simm.s32 $0x5  }
.LBB2_1:
0x16: {  	s3 =	simm.s32 $0x0;
	s7 =	rddreg [dreg:$0x3]  }
0x17: {  	s9 =	simm.s32 $0x200;
	s10 =	simm.s32 $0x800;
	s11 =	simm.s32 $0x7  }
0x18: {  	[tilespmem:s3], [sflag:$0x7] =	stream.strided.gather [hbm4b:s7+s9], $0x6400, s10, s9, $0x38;
	[tilespmem:$0x1E400] =	vst v63  }
0x19: {  	_ =	swait.ge [sflag:s11], $0x6400  }
0x1a: {  	[sflag:s11] =	ssyncset.done $0x0  }
0x1b: {  	[sflag:s11] =	ssyncadd.s32 $0xFFFF9C00  }
0x1c: {  	[tilespmem:s18], [sflag:$0x1] =	stream.indirect.gather [hbm4b:s5+s17], $0x40, s3, s17, $0xb8;
	[tilespmem:$0x1E400] =	vst v63  }
0x1d: {  	_ = 	snop  }
0x1e: {  	[tilespmem:s19], [sflag:$0x1] =	stream.indirect.gather [hbm4b:s5+s17], $0x40, s9, s17, $0xb8;
	[tilespmem:$0x1E400] =	vst v63  }
0x1f: {  	_ = 	snop  }
0x20: {  	[tilespmem:s20], [sflag:$0x2] =	stream.indirect.gather [hbm4b:s5+s17], $0x40, s17, s17, $0xb8;
	[tilespmem:$0x1E400] =	vst v63  }
0x21: {  	s12 =	simm.s32 $0x300  }
0x22: {  	[tilespmem:s22], [sflag:$0x2] =	stream.indirect.gather [hbm4b:s5+s17], $0x40, s12, s17, $0xb8;
	[tilespmem:$0x1E400] =	vst v63  }
0x23: {  	s13 =	simm.s32 $0x400  }
0x24: {  	[tilespmem:s24], [sflag:$0x3] =	stream.indirect.gather [hbm4b:s5+s17], $0x40, s13, s17, $0xb8;
	[tilespmem:$0x1E400] =	vst v63  }
0x25: {  	s14 =	simm.s32 $0x600  }
0x26: {  	[tilespmem:s26], [sflag:$0x3] =	stream.indirect.gather [hbm4b:s5+s17], $0x40, s14, s17, $0xb8;
	[tilespmem:$0x1E400] =	vst v63  }
0x27: {  	_ =	swait.ge [sflag:s28], $0x4000  }
0x28: {  	[sflag:s28] =	ssyncset.done $0x0  }
0x29: {  	[sflag:s28] =	ssyncadd.s32 $0xFFFFC000  }
0x2a: {  	_ =	swait.ge [sflag:s28], $0x4000  }
0x2b: {  	[sflag:s28] =	ssyncset.done $0x0  }
0x2c: {  	s16 =	rddreg [dreg:$0x4];
	[sflag:s28] =	ssyncadd.s32 $0xFFFFC000  }
0x2d: {  	[hbm4b:s16+s29] =	stream.strided.scatter [tilespmem:s18], [sflag:$0x4], $0x4000, s30, s29, $0x38;
	[tilespmem:$0x1E400] =	vst v63  }
0x2e: {  	s25 =	rddreg [dreg:$0x5]  }
0x2f: {  	[hbm4b:s25+s29] =	stream.strided.scatter [tilespmem:s19], [sflag:$0x4], $0x4000, s30, s29, $0x38;
	[tilespmem:$0x1E400] =	vst v63  }
0x30: {  	_ =	swait.ge [sflag:s31], $0x4000  }
0x31: {  	[sflag:s31] =	ssyncset.done $0x0  }
0x32: {  	[sflag:s31] =	ssyncadd.s32 $0xFFFFC000  }
0x33: {  	s10 =	simm.s32 $0x600;
	s9 =	simm.s32 $0x300;
	_ =	swait.ge [sflag:s31], $0x4000  }
0x34: {  	s7 =	sand.u32 $0x100, s9;
	s9 =	sand.u32 $0xFC00, s10;
	[sflag:s31] =	ssyncset.done $0x0  }
0x35: {  	s9 =	sor.u32 s7, s9;
	[sflag:s31] =	ssyncadd.s32 $0xFFFFC000  }
0x36: {  	[tilespmem:s18], [sflag:$0x1] =	stream.indirect.gather [hbm4b:s5+s17], $0x40, s9, s17, $0xb8;
	[tilespmem:$0x1E400] =	vst v63  }
0x37: {  	s9 =	sor.u32 $0x200, s9  }
0x38: {  	[tilespmem:s19], [sflag:$0x1] =	stream.indirect.gather [hbm4b:s5+s17], $0x40, s9, s17, $0xb8;
	[tilespmem:$0x1E400] =	vst v63  }
0x39: {  	s11 =	simm.s32 $0x100;
	_ =	swait.ge [sflag:s0], $0x4000  }
0x3a: {  	s9 =	sand.u32 $0x100, s11;
	[sflag:s0] =	ssyncset.done $0x0  }
0x3b: {  	s12 =	sadd.s32 $0x0, s6;
	s9 =	sor.u32 s4, s9;
	[sflag:s0] =	ssyncadd.s32 $0xFFFFC000  }
0x3c: {  	s10 =	sshll.u32 s12, $0xF;
	s9 =	sshll.u32 s9, $0x4;
	_ =	swait.ge [sflag:s0], $0x4000  }
0x3d: {  	s9 =	sor.u32 s10, s9;
	[sflag:s0] =	ssyncset.done $0x0  }
0x3e: {  	s10 =	sadd.s32 s2, s9;
	[sflag:s0] =	ssyncadd.s32 $0xFFFFC000  }
0x3f: {  	[hbm4b:s10+s29] =	stream.strided.scatter [tilespmem:s20], [sflag:$0x5], $0x4000, s30, s29, $0x38;
	[tilespmem:$0x1E400] =	vst v63  }
0x40: {  	s9 =	sadd.s32 s9, s8  }
0x41: {  	[hbm4b:s9+s29] =	stream.strided.scatter [tilespmem:s22], [sflag:$0x5], $0x4000, s30, s29, $0x38;
	[tilespmem:$0x1E400] =	vst v63  }
0x42: {  	_ =	swait.ge [sflag:s1], $0x4000  }
0x43: {  	[sflag:s1] =	ssyncset.done $0x0  }
0x44: {  	[sflag:s1] =	ssyncadd.s32 $0xFFFFC000  }
0x45: {  	s13 =	simm.s32 $0x800;
	_ =	swait.ge [sflag:s1], $0x4000  }
0x46: {  	s14 =	sand.u32 $0x100, s3;
	s9 =	sand.u32 $0xFC00, s13;
	[sflag:s1] =	ssyncset.done $0x0  }
0x47: {  	s9 =	sor.u32 s14, s9;
	[sflag:s1] =	ssyncadd.s32 $0xFFFFC000  }
0x48: {  	[tilespmem:s20], [sflag:$0x2] =	stream.indirect.gather [hbm4b:s5+s17], $0x40, s9, s17, $0xb8;
	[tilespmem:$0x1E400] =	vst v63  }
0x49: {  	s9 =	sor.u32 $0x200, s9  }
0x4a: {  	[tilespmem:s22], [sflag:$0x2] =	stream.indirect.gather [hbm4b:s5+s17], $0x40, s9, s17, $0xb8;
	[tilespmem:$0x1E400] =	vst v63  }
0x4b: {  	_ =	swait.ge [sflag:s15], $0x4000  }
0x4c: {  	[sflag:s15] =	ssyncset.done $0x0  }
0x4d: {  	s16 =	sor.u32 s4, s14;
	s25 =	sadd.s32 $0x1, s6;
	[sflag:s15] =	ssyncadd.s32 $0xFFFFC000  }
0x4e: {  	s10 =	sshll.u32 s25, $0xF;
	s9 =	sshll.u32 s16, $0x4;
	_ =	swait.ge [sflag:s15], $0x4000  }
0x4f: {  	p1 =	por $0x0, $0x0;
	s9 =	sor.u32 s9, s10;
	[sflag:s15] =	ssyncset.done $0x0  }
0x50: {  	s7 =	sor.u32 s4, s7;
	s10 =	sadd.s32 s2, s9;
	[sflag:s15] =	ssyncadd.s32 $0xFFFFC000  }
0x51: {  	[hbm4b:s10+s29] =	stream.strided.scatter [tilespmem:s24], [sflag:$0x6], $0x4000, s30, s29, $0x38;
	[tilespmem:$0x1E400] =	vst v63  }
0x52: {  	s7 =	sshll.u32 s7, $0x4;
	s11 =	sadd.s32 $0x1, s6;
	s9 =	sadd.s32 s9, s8  }
0x53: {  	[hbm4b:s9+s29] =	stream.strided.scatter [tilespmem:s26], [sflag:$0x6], $0x4000, s30, s29, $0x38;
	[tilespmem:$0x1E400] =	vst v63  }
0x54: {  	s12 =	simm.s32 @!p1 $0x100;
	s11 =	sshll.u32 s11, $0xF;
	_ =	swait.ge [sflag:s21], $0x4000  }
0x55: {  	s7 =	sor.u32 s11, s7;
	s25 =	simm.s32 $0x1000;
	[sflag:s21] =	ssyncset.done $0x0  }
0x56: {  	s13 =	simm.s32 @!p1 $0x1A400;
	s14 =	simm.s32 $0x100;
	[sflag:s21] =	ssyncadd.s32 $0xFFFFC000  }
0x57: {  	s10 =	simm.s32 $0xA00;
	s9 =	simm.s32 $0x500;
	_ =	swait.ge [sflag:s21], $0x4000  }
0x58: {  	s10 =	sand.u32 @!p1 $0xFC00, s10;
	s9 =	sand.u32 @!p1 $0x100, s9;
	[sflag:s21] =	ssyncset.done $0x0  }
0x59: {  	s9 =	sor.u32 @!p1 s9, s10;
	s10 =	simm.s32 @!p1 $0x16400;
	[sflag:s21] =	ssyncadd.s32 $0xFFFFC000  }
0x5a: {  	[tilespmem:s10], [sflag:$0x3] =	stream.indirect.gather @!p1 [hbm4b:s5+s12], $0x40, s9, s12, $0xb8;
	[tilespmem:$0x1E400] =	vst v63  }
0x5b: {  	s11 =	sor.u32 @!p1 $0x200, s9;
	s9 =	simm.s32 $0x800;
	s10 =	simm.s32 $0x6  }
.LBB2_2:
0x5c: {  	[tilespmem:s13], [sflag:$0x3] =	stream.indirect.gather @!p1 [hbm4b:s5+s12], $0x40, s11, s12, $0xb8;
	[tilespmem:$0x1E400] =	vst v63  }
0x5d: {  	s11 =	smov.u32 s25;
	s25 =	sadd.s32 $0x600, s25;
	_ =	swait.ge [sflag:s28], $0x4000  }
0x5e: {  	p0 =	sne.s32 s25, $0x6A00;
	[sflag:s28] =	ssyncset.done $0x0  }
0x5f: {  	s12 =	sshrl.u32 s10, $0x1;
	s13 =	sadd.s32 s2, s7;
	[sflag:s28] =	ssyncadd.s32 $0xFFFFC000  }
0x60: {  	s3 =	sadd.s32 $0xFFFFFE00, s9;
	s16 =	sadd.s32 $0xFFFFFC00, s11;
	_ =	swait.ge [sflag:s28], $0x4000  }
0x61: {  	s3 =	sand.u32 $0x100, s3;
	s16 =	sand.u32 $0xFC00, s16;
	[sflag:s28] =	ssyncset.done $0x0  }
0x62: {  	s16 =	sor.u32 s3, s16;
	s3 =	sor.u32 s4, s3;
	[sflag:s28] =	ssyncadd.s32 $0xFFFFC000  }
0x63: {  	[hbm4b:s13+s29] =	stream.strided.scatter [tilespmem:s18], [sflag:$0x4], $0x4000, s30, s29, $0x38;
	[tilespmem:$0x1E400] =	vst v63  }
0x64: {  	s7 =	sadd.s32 s7, s8;
	s12 =	sadd.s32 s6, s12;
	s13 =	sor.u32 $0x200, s16  }
0x65: {  	[hbm4b:s7+s29] =	stream.strided.scatter [tilespmem:s19], [sflag:$0x4], $0x4000, s30, s29, $0x38;
	[tilespmem:$0x1E400] =	vst v63  }
0x66: {  	s3 =	sshll.u32 s3, $0x4;
	s7 =	sshll.u32 s12, $0xF;
	_ =	swait.ge [sflag:s31], $0x4000  }
0x67: {  	s7 =	sor.u32 s7, s3;
	[sflag:s31] =	ssyncset.done $0x0  }
0x68: {  	[sflag:s31] =	ssyncadd.s32 $0xFFFFC000  }
0x69: {  	_ =	swait.ge [sflag:s31], $0x4000  }
0x6a: {  	s12 =	sadd.s32 $0xFFFFFC00, s9;
	s3 =	sadd.s32 $0xFFFFFFFE, s10;
	[sflag:s31] =	ssyncset.done $0x0  }
0x6b: {  	s12 =	sand.u32 $0x100, s12;
	s3 =	sshrl.u32 s3, $0x1;
	[sflag:s31] =	ssyncadd.s32 $0xFFFFC000  }
0x6c: {  	[tilespmem:s18], [sflag:$0x1] =	stream.indirect.gather [hbm4b:s5+s17], $0x40, s16, s17, $0xb8;
	[tilespmem:$0x1E400] =	vst v63  }
0x6d: {  	s12 =	sor.u32 s4, s12;
	s3 =	sadd.s32 s6, s3  }
0x6e: {  	[tilespmem:s19], [sflag:$0x1] =	stream.indirect.gather [hbm4b:s5+s17], $0x40, s13, s17, $0xb8;
	[tilespmem:$0x1E400] =	vst v63  }
0x6f: {  	s12 =	sshll.u32 s12, $0x4;
	s3 =	sshll.u32 s3, $0xF;
	_ =	swait.ge [sflag:s0], $0x4000  }
0x70: {  	s3 =	sor.u32 s3, s12;
	[sflag:s0] =	ssyncset.done $0x0  }
0x71: {  	[sflag:s0] =	ssyncadd.s32 $0xFFFFC000  }
0x72: {  	_ =	swait.ge [sflag:s0], $0x4000  }
0x73: {  	[sflag:s0] =	ssyncset.done $0x0  }
0x74: {  	s12 =	sadd.s32 s2, s3;
	s13 =	sadd.s32 $0xFFFFFE00, s11;
	[sflag:s0] =	ssyncadd.s32 $0xFFFFC000  }
0x75: {  	[hbm4b:s12+s29] =	stream.strided.scatter [tilespmem:s20], [sflag:$0x5], $0x4000, s30, s29, $0x38;
	[tilespmem:$0x1E400] =	vst v63  }
0x76: {  	s3 =	sadd.s32 s3, s8;
	s13 =	sand.u32 $0xFC00, s13;
	s12 =	sand.u32 $0x100, s14  }
0x77: {  	[hbm4b:s3+s29] =	stream.strided.scatter [tilespmem:s22], [sflag:$0x5], $0x4000, s30, s29, $0x38;
	[tilespmem:$0x1E400] =	vst v63  }
0x78: {  	s13 =	sor.u32 s12, s13;
	s3 =	sadd.s32 $0xFFFFFFFF, s10;
	_ =	swait.ge [sflag:s1], $0x4000  }
0x79: {  	s12 =	sor.u32 s4, s12;
	s3 =	sshrl.u32 s3, $0x1;
	[sflag:s1] =	ssyncset.done $0x0  }
0x7a: {  	s3 =	sadd.s32 s6, s3;
	[sflag:s1] =	ssyncadd.s32 $0xFFFFC000  }
0x7b: {  	s12 =	sshll.u32 s12, $0x4;
	s3 =	sshll.u32 s3, $0xF;
	_ =	swait.ge [sflag:s1], $0x4000  }
0x7c: {  	s3 =	sor.u32 s12, s3;
	[sflag:s1] =	ssyncset.done $0x0  }
0x7d: {  	[sflag:s1] =	ssyncadd.s32 $0xFFFFC000  }
0x7e: {  	[tilespmem:s20], [sflag:$0x2] =	stream.indirect.gather [hbm4b:s5+s17], $0x40, s13, s17, $0xb8;
	[tilespmem:$0x1E400] =	vst v63  }
0x7f: {  	s12 =	sor.u32 $0x200, s13  }
0x80: {  	[tilespmem:s22], [sflag:$0x2] =	stream.indirect.gather [hbm4b:s5+s17], $0x40, s12, s17, $0xb8;
	[tilespmem:$0x1E400] =	vst v63  }
0x81: {  	s13 =	sadd.s32 s3, s8;
	_ =	swait.ge [sflag:s15], $0x4000  }
0x82: {  	[sflag:s15] =	ssyncset.done $0x0  }
0x83: {  	[sflag:s15] =	ssyncadd.s32 $0xFFFFC000  }
0x84: {  	p1 =	seq.s32 s11, $0x6400;
	_ =	swait.ge [sflag:s15], $0x4000  }
0x85: {  	s16 =	sand.u32 @!p1 $0x100, s9;
	s12 =	simm.s32 @!p1 $0x100;
	[sflag:s15] =	ssyncset.done $0x0  }
0x86: {  	s11 =	sand.u32 @!p1 $0xFC00, s11;
	s3 =	sadd.s32 s2, s3;
	[sflag:s15] =	ssyncadd.s32 $0xFFFFC000  }
0x87: {  	[hbm4b:s3+s29] =	stream.strided.scatter [tilespmem:s24], [sflag:$0x6], $0x4000, s30, s29, $0x38;
	[tilespmem:$0x1E400] =	vst v63  }
0x88: {  	s3 =	sor.u32 @!p1 s16, s11  }
0x89: {  	[hbm4b:s13+s29] =	stream.strided.scatter [tilespmem:s26], [sflag:$0x6], $0x4000, s30, s29, $0x38;
	[tilespmem:$0x1E400] =	vst v63  }
0x8a: {  	s11 =	sor.u32 @!p1 $0x200, s3;
	_ =	swait.ge [sflag:s21], $0x4000  }
0x8b: {  	[sflag:s21] =	ssyncset.done $0x0  }
0x8c: {  	[sflag:s21] =	ssyncadd.s32 $0xFFFFC000  }
.Ltmp0:
0x8d: {  	_ =	swait.ge [sflag:s21], $0x4000;
	(pc) =	sbr.rel @p0 .LBB2_2-.Ltmp0, $4  }
0x8e: {  	[sflag:s21] =	ssyncset.done $0x0  }
0x8f: {  	s14 =	sadd.s32 $0x100, s14;
	s13 =	simm.s32 @!p1 $0x16400;
	[sflag:s21] =	ssyncadd.s32 $0xFFFFC000  }
0x90: {  	[tilespmem:s13], [sflag:$0x3] =	stream.indirect.gather @!p1 [hbm4b:s5+s12], $0x40, s3, s12, $0xb8;
	[tilespmem:$0x1E400] =	vst v63  }
0x91: {  	s9 =	sadd.s32 $0x300, s9;
	s10 =	sadd.s32 $0x3, s10;
	s13 =	simm.s32 @!p1 $0x1A400  }
0x92: {  	[tilespmem:s13], [sflag:$0x3] =	stream.indirect.gather @!p1 [hbm4b:s5+s12], $0x40, s11, s12, $0xb8;
	[tilespmem:$0x1E400] =	vst v63  }
0x93: {  	_ =	swait.ge [sflag:s28], $0x4000  }
0x94: {  	[sflag:s28] =	ssyncset.done $0x0  }
0x95: {  	[sflag:s28] =	ssyncadd.s32 $0xFFFFC000  }
0x96: {  	_ =	swait.ge [sflag:s28], $0x4000  }
0x97: {  	[sflag:s28] =	ssyncset.done $0x0  }
0x98: {  	s3 =	sadd.s32 s2, s7;
	[sflag:s28] =	ssyncadd.s32 $0xFFFFC000  }
0x99: {  	[hbm4b:s3+s29] =	stream.strided.scatter [tilespmem:s18], [sflag:$0x4], $0x4000, s30, s29, $0x38;
	[tilespmem:$0x1E400] =	vst v63  }
0x9a: {  	s13 =	sadd.s32 s7, s8  }
0x9b: {  	[hbm4b:s13+s29] =	stream.strided.scatter [tilespmem:s19], [sflag:$0x4], $0x4000, s30, s29, $0x38;
	[tilespmem:$0x1E400] =	vst v63  }
0x9c: {  	_ =	swait.ge [sflag:s31], $0x4000  }
0x9d: {  	[sflag:s31] =	ssyncset.done $0x0  }
0x9e: {  	[sflag:s31] =	ssyncadd.s32 $0xFFFFC000  }
0x9f: {  	_ =	swait.ge [sflag:s31], $0x4000  }
0xa0: {  	[sflag:s31] =	ssyncset.done $0x0  }
0xa1: {  	[sflag:s31] =	ssyncadd.s32 $0xFFFFC000  }
0xa2: {  	_ =	swait.ge [sflag:s0], $0x4000  }
0xa3: {  	[sflag:s0] =	ssyncset.done $0x0  }
0xa4: {  	[sflag:s0] =	ssyncadd.s32 $0xFFFFC000  }
0xa5: {  	_ =	swait.ge [sflag:s0], $0x4000  }
0xa6: {  	[sflag:s0] =	ssyncset.done $0x0  }
0xa7: {  	s14 =	rddreg [dreg:$0x6];
	[sflag:s0] =	ssyncadd.s32 $0xFFFFC000  }
0xa8: {  	[hbm4b:s14+s29] =	stream.strided.scatter [tilespmem:s20], [sflag:$0x5], $0x4000, s30, s29, $0x38;
	[tilespmem:$0x1E400] =	vst v63  }
0xa9: {  	s16 =	rddreg [dreg:$0x7]  }
0xaa: {  	[hbm4b:s16+s29] =	stream.strided.scatter [tilespmem:s22], [sflag:$0x5], $0x4000, s30, s29, $0x38;
	[tilespmem:$0x1E400] =	vst v63  }
0xab: {  	_ =	swait.ge [sflag:s1], $0x4000  }
0xac: {  	[sflag:s1] =	ssyncset.done $0x0  }
0xad: {  	[sflag:s1] =	ssyncadd.s32 $0xFFFFC000  }
0xae: {  	_ =	swait.ge [sflag:s1], $0x4000  }
0xaf: {  	s23 =	sadd.s32 $0x1, s23;
	s25 =	rddreg [dreg:$0x8]  }
0xb0: {  	p0 =	sne.s32 s23, s25  }
.Ltmp1:
0xb1: {  	_ = 	snop;
	(pc) =	sbr.rel @p0 .LBB2_1-.Ltmp1, $3  }
0xb2: {  	_ =	sdelay $0x1  }
0xb3: {  	[sflag:s1] =	ssyncset.done $0x0  }
0xb4: {  	[sflag:s1] =	ssyncadd.s32 $0xFFFFC000  }
0xb5: {  	_ =	sfence.sel $0x180000  }
0xb6: {  	[bflag:$0x0] =	sbarrier.arrive $0xFFFF  }
0xb7: {  	_ =	strace $0x90000047  }
0xb8: {  	s0 =	stileid.u32;
	[bflag:$0x2] =	sbarrier.arrive $0xFFFF  }
0xb9: {  	p0 =	sne.s32 s0, $0x0;
	s0 =	rddreg [dreg:$0x2]  }
0xba: {  	s0 =	sadd.s32 @!p0 $0x100000, s0  }
0xbb: {  	[sflag:s0] =	ssyncadd.tile.s32 @!p0 $0x1;
	_ =	shalt  }
.Lfunc_end2:
_tile_overlayer_lowered:
.L_overlay_start_2:
0xbc: {  	(tag) =	ssettag $0x2  }
0xbd: {  	s0 =	rddreg [dreg:$0x0];
	s2 =	stileid.u32  }
0xbe: {  	s1 =	rddreg [dreg:$0x1];
	p0 =	sne.s32 s2, $0x0  }
0xbf: {  	s3 =	rddreg [dreg:$0x2];
	[bflag:$0x3] =	sbarrier.arrive $0xFFFF;
	s2 =	simm.s32 @!p0 $0x1C07  }
0xc0: {  	[timem:s3], [sflag:s2] =	dma.local @!p0 [hbm:s0], s1  }
0xc1: {  	s0 =	simm.s32 @!p0 $0x7  }
0xc2: {  	_ =	swait.ge @!p0 [sflag:s0], s1  }
0xc3: {  	s1 =	ssub.s32 @!p0 $0x0, s1;
	[sflag:s0] =	ssyncset.done @!p0 $0x0  }
0xc4: {  	[sflag:s0] =	ssyncadd.s32 @!p0 s1  }
0xc5: {  	[bflag:$0x3] =	sbarrier.arrive $0xFFFF  }
0xc6: {  	_ =	shalt  }

// kernel: sparse-core-data-format-call.1.cloned.1.call-start
scs
called_computation.1_lowered:
.L_overlay_start_0:
0x0: {  	s2 =	sld [smem:$0x3FD9]  }
0x1: {  	s3 =	sld [smem:$0x3FFE];
	_ =	sdelay $0x1  }
0x2: {  	s1 =	srdreg.scid  }
0x3: {  	s0 =	sand.u32 $0x1, s1  }
0x4: {  	s18 =	sshll.u32 s0, $0xA;
	s2 =	sadd.s32 s3, s2  }
0x5: {  	s2 =	sadd.s32 s2, s18  }
0x6: {  	[smem:$0x3FC6] =	sst s2  }
0x7: {  	_ = 	snop  }
0x8: {  	s2 =	sld [smem:$0x3FD0];
	(tm) =	ssettm $0x1  }
0x9: {  	s19 =	sld [smem:$0x3FFB];
	_ =	sdelay $0x3  }
0xa: {  	_ =	strace s19  }
0xb: {  	s3 =	sld [smem:$0x3FFC];
	_ =	sdelay $0x3  }
0xc: {  	_ =	strace s3  }
0xd: {  	s3 =	sld [smem:$0x3FFD];
	_ =	sdelay $0x3  }
0xe: {  	_ =	strace s3  }
0xf: {  	_ =	strace $0x8FFFFFFF  }
0x10: {  	s20 =	sld [smem:$0x3FDB];
	_ =	sdelay $0x1  }
0x11: {  	s4 =	simm.s32 $_scs_section_size  }
0x12: {  	s5 =	simm.s32 $_size__tile_overlayer_lowered;
	s6 =	simm.s32 $_tile_overlayer_lowered  }
0x13: {  	s23 =	simm.s32 $0x1BFF;
	s22 =	sshll.u32 s6, $0x1;
	s3 =	sadd.s32 s4, s20  }
0x14: {  	s7 =	simm.s32 $0x0;
	s21 =	sshll.u32 s5, $0x1;
	s5 =	sadd.s32 s22, s3  }
0x15: {  	[timem:s7], [sflag:s23] =	dma.local [hbm:s5], s21  }
0x16: {  	_ =	swait.ge [sflag:s23], s21  }
0x17: {  	s4 =	ssub.s32 $0x0, s21;
	[sflag:s23] =	ssyncset.done $0x0  }
0x18: {  	[sflag:s23] =	ssyncadd.s32 s4;
	_ =	sdelay $0x1  }
0x19: {  	s24 =	simm.s32 $0x1B8B  }
0x1a: {  	_ =	swait.ge [sflag:s24], $0x1  }
0x1b: {  	[sflag:s24] =	ssyncset.done $0x0  }
0x1c: {  	s26 =	simm.s32 $0x1B8E;
	s25 =	sld [smem:$0x3FFE];
	[sflag:s24] =	ssyncadd.s32 $0xFFFFFFFF  }
0x1d: {  	s27 =	simm.s32 $execute0_lowered;
	[smem:$0x3FD2] =	sst s26  }
0x1e: {  	s5 =	sshll.u32 s27, $0x1;
	_ =	strace $0x80000049;
	[dreg:$0x1] =	wrdreg $0xFFFFFFFF  }
0x1f: {  	s28 =	simm.s32 $_size_execute0_lowered;
	s3 =	sadd.s32 s3, s5;
	[dreg:$0x0] =	wrdreg $0x0  }
0x20: {  	s5 =	sshll.u32 s28, $0x1;
	[dreg:$0x2] =	wrdreg s3  }
0x21: {  	[dreg:$0x3] =	wrdreg s5  }
0x22: {  	[dreg:$0x4] =	wrdreg $0xC0  }
0x23: {  	_ =	task [dreg:s7], $0x5FFFF  }
0x24: {  	[dreg:$0x1] =	wrdreg $0xFFFFFFFF  }
0x25: {  	[dreg:$0x0] =	wrdreg $0x60  }
0x26: {  	[dreg:$0x2] =	wrdreg s2  }
0x27: {  	[dreg:$0x3] =	wrdreg s25  }
0x28: {  	[dreg:$0x4] =	wrdreg $0x9  }
0x29: {  	_ =	task.clear_ibuf [dreg:s7], $0x5FFFF;
	_ =	strace $0x90000049  }
0x2a: {  	s29 =	simm.s32 $0x9;
	_ =	strace $0x8000004B  }
0x2b: {  	_ =	swait.ge [sflag:s29], $0x1  }
0x2c: {  	[sflag:s29] =	ssyncadd.s32 $0xFFFFFFFF  }
0x2d: {  	_ =	strace $0x9000004B  }
0x2e: {  	_ =	sfence  }
0x2f: {  	s30 =	sld [smem:$0x0];
	_ =	sdelay $0x2  }
0x30: {  	s31 =	sshll.u32 s1, $0xD;
	s1 =	sshrl.u32 s1, $0x2  }
0x31: {  	s3 =	sand.u32 $0x4000, s31;
	s1 =	sadd.s32 s1, s30  }
0x32: {  	s0 =	sor.u32 s3, s0;
	s1 =	sshll.u32 s1, $0x11  }
0x33: {  	s0 =	sor.u32 s1, s0  }
0x34: {  	s0 =	sadd.s32 $0x8F2B, s0  }
0x35: {  	[sflag:s0] =	ssyncadd.remote.s32 $0x1  }
0x36: {  	_ =	sfence.sel $0xFFFF  }
0x37: {  	[dreg:$0x0] =	wrdreg $0xFFFFFFFF;
	(pc) =	sbr.abs _section_cstart, $3  }
0x38: {  	[dreg:$0x1] =	wrdreg $0xFFFFFFFF  }
0x39: {  	_ =	task.clear_ibuf [dreg:s7], $0x2FFFF;
	_ =	strace $0x9FFFFFFF  }
0x3a: {  	(tm) =	ssettm $0x7FFFFFFF  }
0x3b: {  	_ =	shalt  }
tec
execute0_lowered:
.L_overlay_start_1:
0x0: {  	(tag) =	ssettag $0x1  }
0x1: {  	s2 =	rddreg [dreg:$0x0];
	s0 =	srdreg.scid  }
0x2: {  	s3 =	rddreg [dreg:$0x1];
	s1 =	stileid.u32  }
0x3: {  	s5 =	simm.s32 $0x1;
	s7 =	simm.s32 $0x2;
	s11 =	simm.s32 $0x0  }
0x4: {  	p0 =	por $0x0, $0x0;
	s12 =	simm.s32 $0x0;
	s8 =	simm.s32 $0x0  }
.Ltmp0:
0x5: {  	s4 =	sshll.u32 s0, $0x4;
	s0 =	rddreg [dreg:$0x2];
	(pc) =	sbr.rel .LBB1_1-.Ltmp0, $4  }
0x6: {  	_ =	strace $0x8000004A;
	s3 =	sadd.s32 $0xE00, s3;
	s4 =	sand.u32 $0x10, s4  }
0x7: {  	s6 =	sshll.u32 s1, $0x7;
	[sflag:s5] =	ssyncpa.u1 $0x0;
	s4 =	sor.u32 s1, s4  }
0x8: {  	s6 =	sand.u32 $0x80, s6;
	[sflag:s7] =	ssyncpa.u1 $0x0;
	s4 =	sshrl.u32 s4, $0x1  }
0x9: {  	s7 =	simm.s32 $0x800;
	s10 =	smov.u32 s6;
	s9 =	smov.u32 s4  }
.LBB1_5:
0xa: {  	s13 =	sadd.s32 $0x10, s9  }
0xb: {  	s11 =	sadd.s32 $0x100, s10;
	s15 =	smov.u32 s10;
	p2 =	sgt.s32 s13, $0x7FF  }
0xc: {  	p1 =	slt.u32 s8, $0x2;
	s15 =	smov.u32 @p2 s11  }
0xd: {  	s8 =	sadd.s32 $0x1, s8;
	s13 =	smov.u32 @p2 s4;
	p2 =	sgt.s32 s15, $0xC7  }
0xe: {  	s15 =	smov.u32 @p2 s6;
	p2 =	sne.s32 s8, $0x82  }
.Ltmp1:
0xf: {  	_ = 	snop;
	(pc) =	sbr.rel @!p2 .LBB1_6-.Ltmp1, $4  }
0x10: {  	s14 =	simm.s32 @!p1 $0x2  }
0x11: {  	s12 =	smov.u32 s10;
	_ =	swait.ge @!p1 [sflag:s14], $0x4000  }
0x12: {  	p0 =	por !p0, !p0;
	s11 =	smov.u32 s9;
	[sflag:s14] =	ssyncset.done @!p1 $0x0  }
0x13: {  	s9 =	smov.u32 s13;
	[sflag:s14] =	ssyncadd.s32 @!p1 $0xFFFFC000;
	s10 =	smov.u32 s15  }
.LBB1_1:
0x14: {  	p1 =	sgt.u32 s8, $0x7F  }
0x15: {  	p2 =	sgt.s32 @!p1 s10, $0x48  }
0x16: {  	s13 =	smov.u32 s10;
	s15 =	smov.u32 s9;
	p2 =	por !p2, p1  }
0x17: {  	s14 =	sshra.s32 @!p1 s10, $0x1F;
	s13 =	simm.s32 @p2 $0x48;
	p2 =	sgt.s32 @!p1 s9, $0x7FF  }
0x18: {  	s16 =	sshra.s32 @!p1 s9, $0x1F;
	s14 =	sand.u32 @!p1 s14, s10;
	p2 =	por !p2, p1  }
0x19: {  	s13 =	ssub.s32 @!p1 s13, s14;
	s14 =	sand.u32 @!p1 s16, s9;
	s15 =	simm.s32 @p2 $0x7FF  }
0x1a: {  	s16 =	sshll.u32 @!p1 s9, $0x4;
	s13 =	sadd.s32 @!p1 $0xFFFFFFB8, s13;
	s14 =	ssub.s32 @!p1 s15, s14  }
0x1b: {  	p2 =	sgt.s32 @!p1 s13, $0x7F;
	s13 =	sshll.u32 @!p1 s13, $0x7;
	s15 =	sadd.s32 @!p1 $0xFFFFF801, s14  }
0x1c: {  	s14 =	ssub.s32 @!p1 $0x800, s14;
	s13 =	ssub.s32 @!p1 $0x4000, s13;
	p3 =	sgt.s32 @!p1 s15, $0x0  }
0x1d: {  	p2 =	por !p2, p1;
	s15 =	sxor.u32 @!p1 $0xFFFFFFFF, s8;
	p3 =	por !p3, p1  }
0x1e: {  	s13 =	simm.s32 @!p2 $0x0;
	s15 =	sshll.u32 @!p1 s15, $0xE;
	s14 =	simm.s32 @!p3 $0x0  }
0x1f: {  	s13 =	smul.u32 @!p1 s14, s13;
	s14 =	sand.u32 @!p1 $0x4000, s15;
	s15 =	sshll.u32 @!p1 s10, $0xF  }
0x20: {  	s17 =	simm.s32 @!p1 $0x40000;
	s16 =	sand.u32 @!p1 $0x7FF0, s16;
	s15 =	sadd.s32 @!p1 s2, s15  }
0x21: {  	s13 =	sand.u32 @!p1 $0x3FFFFF80, s13;
	s15 =	sadd.s32 @!p1 s16, s15;
	s16 =	simm.s32 @!p1 $0x80  }
0x22: {  	[tilespmem:s14], [sflag:$0x1] =	stream.strided.gather @!p1 [hbm4b:s15+s16], s13, s17, s16, $0x38;
	[tilespmem:$0x10100] =	vst v63  }
0x23: {  	p1 =	seq.s32 s8, $0x0  }
0x24: {  	p2 =	seq.s32 @!p1 s8, $0x81  }
0x25: {  	p1 =	por p1, p2  }
.Ltmp2:
0x26: {  	_ = 	snop;
	(pc) =	sbr.rel @p1 .LBB1_5-.Ltmp2, $1  }
0x27: {  	_ =	sdelay $0x3  }
0x28: {  	p1 =	sgt.s32 s12, $0x48;
	s13 =	smov.u32 s12  }
0x29: {  	s14 =	sshra.s32 s12, $0x1F;
	s15 =	smov.u32 s11;
	s16 =	sshra.s32 s11, $0x1F  }
0x2a: {  	s13 =	simm.s32 @!p1 $0x48;
	s14 =	sand.u32 s14, s12;
	p1 =	sgt.s32 s11, $0x7FF  }
0x2b: {  	s27 =	sand.u32 s16, s11;
	s13 =	ssub.s32 s13, s14;
	s15 =	simm.s32 @!p1 $0x7FF  }
0x2c: {  	s13 =	sadd.s32 $0xFFFFFFB8, s13;
	s14 =	ssub.s32 s15, s27  }
0x2d: {  	p1 =	sgt.s32 s13, $0x7F;
	s15 =	sadd.s32 $0xFFFFF801, s14;
	s13 =	sshll.u32 s13, $0x7  }
0x2e: {  	s14 =	ssub.s32 $0x800, s14;
	p2 =	sgt.s32 s15, $0x0;
	s13 =	ssub.s32 $0x4000, s13  }
0x2f: {  	s14 =	simm.s32 @p2 $0x0;
	s13 =	simm.s32 @p1 $0x0  }
0x30: {  	s13 =	smul.u32 s14, s13;
	_ =	sdelay $0x1  }
0x31: {  	s14 =	simm.s32 $0x1;
	s13 =	sand.u32 $0x3FFFFF80, s13  }
0x32: {  	s14 =	simm.s32 @!p0 $0x0;
	_ =	swait.ge [sflag:s5], s13  }
0x33: {  	s28 =	sshll.u32 s14, $0xE;
	s13 =	ssub.s32 $0x0, s13;
	[sflag:s5] =	ssyncset.done $0x0  }
0x34: {  	s29 =	sor.u32 $0x40, s28;
	[sflag:s5] =	ssyncadd.s32 s13  }
0x35: {  	s30 =	smul.u32 $0x10200, s14;
	v0 =	vld [tilespmem:s29+$0x30]  }
0x36: {  	v3 =	vld [tilespmem:s29+$0xFFFFFFD0]  }
0x37: {  	s13 =	sshrl.u32 s30, $0x2;
	v4 =	vld [tilespmem:s29+$0xFFFFFFE0]  }
0x38: {  	s14 =	sor.u32 $0x8000, s13;
	v5 =	vld [tilespmem:s29+$0xFFFFFFF0]  }
0x39: {  	s31 =	sand.u32 $0x1, s8;
	v1 =	vld [tilespmem:s29+$0x0];
	s15 =	sadd.s32 $0x0, s14  }
0x3a: {  	s13 =	smul.u32 $0x10200, s31;
	v2 =	vld [tilespmem:s29+$0x10];
	[tilespmem:s15+$0x3870 ss:$0x81] =	vst.msk $0xffff, v0  }
0x3b: {  	[tilespmem:s15+$0x810 ss:$0x81] =	vst.msk $0xffff, v3;
	v3 =	vld [tilespmem:s29+$0x20]  }
0x3c: {  	s16 =	sadd.s32 $0x80, s29;
	s13 =	sshrl.u32 s13, $0x2;
	v0 =	vld [tilespmem:s29+$0xFFFFFFC0];
	[tilespmem:s15+$0x1020 ss:$0x81] =	vst.msk $0xffff, v4  }
0x3d: {  	s17 =	simm.s32 $0x4;
	s18 =	simm.s32 $0x8;
	s13 =	sor.u32 $0x8000, s13;
	v4 =	vld [tilespmem:s16+$0x30];
	[tilespmem:s15+$0x1830 ss:$0x81] =	vst.msk $0xffff, v5  }
.LBB1_3:
0x3e: {  	p1 =	sne.s32 s18, $0x1FC;
	v5 =	vld [tilespmem:s16+$0xFFFFFFD0];
	[tilespmem:s15+$0x2040 ss:$0x81] =	vst.msk $0xffff, v1  }
0x3f: {  	v6 =	vld [tilespmem:s16+$0xFFFFFFE0];
	[tilespmem:s15+$0x2850 ss:$0x81] =	vst.msk $0xffff, v2  }
0x40: {  	s19 =	sshra.s32 s17, $0x2;
	s17 =	smov.u32 s18;
	v7 =	vld [tilespmem:s16+$0xFFFFFFF0];
	[tilespmem:s15+$0x3060 ss:$0x81] =	vst.msk $0xffff, v3  }
.Ltmp3:
0x41: {  	v1 =	vld [tilespmem:s16+$0x0];
	[tilespmem:s15+$0x0 ss:$0x81] =	vst.msk $0xffff, v0;
	s15 =	sadd.s32 s19, s14;
	(pc) =	sbr.rel @p1 .LBB1_3-.Ltmp3, $4  }
0x42: {  	v2 =	vld [tilespmem:s16+$0x10];
	[tilespmem:s15+$0x3870 ss:$0x81] =	vst.msk $0xffff, v4  }
0x43: {  	[tilespmem:s15+$0x810 ss:$0x81] =	vst.msk $0xffff, v5;
	v3 =	vld [tilespmem:s16+$0x20]  }
0x44: {  	v0 =	vld [tilespmem:s16+$0xFFFFFFC0];
	[tilespmem:s15+$0x1020 ss:$0x81] =	vst.msk $0xffff, v6;
	s16 =	sadd.s32 $0x80, s16  }
0x45: {  	s18 =	sadd.s32 $0x4, s18;
	v4 =	vld [tilespmem:s16+$0x30];
	[tilespmem:s15+$0x1830 ss:$0x81] =	vst.msk $0xffff, v7  }
0x46: {  	v5 =	vld [tilespmem:s16+$0xFFFFFFD0];
	[tilespmem:s15+$0x2040 ss:$0x81] =	vst.msk $0xffff, v1  }
0x47: {  	v58 =	vld [tilespmem:s16+$0xFFFFFFE0];
	[tilespmem:s15+$0x2850 ss:$0x81] =	vst.msk $0xffff, v2  }
0x48: {  	s17 =	sshra.s32 s17, $0x2;
	v59 =	vld [tilespmem:s16+$0xFFFFFFF0];
	[tilespmem:s15+$0x3060 ss:$0x81] =	vst.msk $0xffff, v3  }
0x49: {  	v60 =	vld [tilespmem:s16+$0x0];
	s14 =	sadd.s32 s17, s14;
	[tilespmem:s15+$0x0 ss:$0x81] =	vst.msk $0xffff, v0  }
0x4a: {  	v61 =	vld [tilespmem:s16+$0x10];
	[tilespmem:s14+$0x3870 ss:$0x81] =	vst.msk $0xffff, v4  }
0x4b: {  	v62 =	vld [tilespmem:s16+$0x20];
	[tilespmem:s14+$0x810 ss:$0x81] =	vst.msk $0xffff, v5  }
0x4c: {  	v63 =	vld [tilespmem:s16+$0xFFFFFFC0];
	[tilespmem:s14+$0x1020 ss:$0x81] =	vst.msk $0xffff, v58  }
0x4d: {  	[tilespmem:s14+$0x1830 ss:$0x81] =	vst.msk $0xffff, v59  }
.Ltmp4:
0x4e: {  	s29 =	sand.u32 $0xF80, s12;
	s11 =	sshll.u32 s11, $0xC;
	[tilespmem:s14+$0x2040 ss:$0x81] =	vst.msk $0xffff, v60;
	(pc) =	sbr.rel .LBB1_5-.Ltmp4, $4  }
0x4f: {  	s30 =	sshrl.u32 s12, $0x3;
	s31 =	sand.u32 $0x7, s12;
	s15 =	sadd.s32 s3, s29;
	[tilespmem:s14+$0x2850 ss:$0x81] =	vst.msk $0xffff, v61  }
0x50: {  	s16 =	sand.u32 $0xF, s30;
	s12 =	sshll.u32 s31, $0x12;
	s11 =	sadd.s32 s11, s15;
	[tilespmem:s14+$0x3060 ss:$0x81] =	vst.msk $0xffff, v62  }
0x51: {  	s12 =	sor.u32 $0x400, s12;
	[tilespmem:s14+$0x0 ss:$0x81] =	vst.msk $0xffff, v63;
	s11 =	sadd.s32 s16, s11  }
0x52: {  	[hbm4b:s11+s12] =	stream.strided.scatter [tilespmem:s13], [sflag:$0x2], $0x4000, s7, s12, $0x20;
	[tilespmem:$0x10100] =	vst v63  }
.LBB1_6:
0x53: {  	_ =	sfence.sel $0x180000  }
0x54: {  	s2 =	simm.s32 $0x1;
	[bflag:$0x0] =	sbarrier.arrive $0xFFFF  }
0x55: {  	s31 =	simm.s32 $0x2;
	[sflag:s2] =	ssyncpa.u1 $0x1  }
0x56: {  	[sflag:s31] =	ssyncpa.u1 $0x1  }
0x57: {  	p0 =	sne.s32 s1, $0x0;
	_ =	strace $0x9000004A  }
0x58: {  	s0 =	sadd.s32 @!p0 $0x100000, s0;
	[bflag:$0x2] =	sbarrier.arrive $0xFFFF  }
0x59: {  	[sflag:s0] =	ssyncadd.tile.s32 @!p0 $0x1;
	_ =	shalt  }
.Lfunc_end1:
_tile_overlayer_lowered:
.L_overlay_start_2:
0x5a: {  	(tag) =	ssettag $0x2  }
0x5b: {  	s0 =	rddreg [dreg:$0x0];
	s2 =	stileid.u32  }
0x5c: {  	s1 =	rddreg [dreg:$0x1];
	p0 =	sne.s32 s2, $0x0  }
0x5d: {  	s3 =	rddreg [dreg:$0x2];
	[bflag:$0x3] =	sbarrier.arrive $0xFFFF;
	s2 =	simm.s32 @!p0 $0x1C01  }
0x5e: {  	[timem:s3], [sflag:s2] =	dma.local @!p0 [hbm:s0], s1  }
0x5f: {  	s0 =	simm.s32 @!p0 $0x1  }
0x60: {  	_ =	swait.ge @!p0 [sflag:s0], s1  }
0x61: {  	s1 =	ssub.s32 @!p0 $0x0, s1;
	[sflag:s0] =	ssyncset.done @!p0 $0x0  }
0x62: {  	[sflag:s0] =	ssyncadd.s32 @!p0 s1  }
0x63: {  	[bflag:$0x3] =	sbarrier.arrive $0xFFFF  }
0x64: {  	_ =	shalt  }

// kernel: sparse-core-data-format-call.cloned.1.call-start
scs
called_computation_lowered:
.L_overlay_start_0:
0x0: {  	s2 =	sld [smem:$0x3FD9]  }
0x1: {  	s3 =	sld [smem:$0x3FFE];
	_ =	sdelay $0x1  }
0x2: {  	s1 =	srdreg.scid  }
0x3: {  	s0 =	sand.u32 $0x1, s1  }
0x4: {  	s18 =	sshll.u32 s0, $0xA;
	s2 =	sadd.s32 s3, s2  }
0x5: {  	s2 =	sadd.s32 s2, s18  }
0x6: {  	[smem:$0x3FC6] =	sst s2  }
0x7: {  	_ = 	snop  }
0x8: {  	s2 =	sld [smem:$0x3FD0];
	(tm) =	ssettm $0x1  }
0x9: {  	s19 =	sld [smem:$0x3FFB];
	_ =	sdelay $0x3  }
0xa: {  	_ =	strace s19  }
0xb: {  	s3 =	sld [smem:$0x3FFC];
	_ =	sdelay $0x3  }
0xc: {  	_ =	strace s3  }
0xd: {  	s3 =	sld [smem:$0x3FFD];
	_ =	sdelay $0x3  }
0xe: {  	_ =	strace s3  }
0xf: {  	_ =	strace $0x8FFFFFFF  }
0x10: {  	s20 =	sld [smem:$0x3FDB];
	_ =	sdelay $0x1  }
0x11: {  	s4 =	simm.s32 $_scs_section_size  }
0x12: {  	s5 =	simm.s32 $_size__tile_overlayer_lowered;
	s6 =	simm.s32 $_tile_overlayer_lowered  }
0x13: {  	s23 =	simm.s32 $0x1BFF;
	s22 =	sshll.u32 s6, $0x1;
	s3 =	sadd.s32 s4, s20  }
0x14: {  	s7 =	simm.s32 $0x0;
	s21 =	sshll.u32 s5, $0x1;
	s5 =	sadd.s32 s22, s3  }
0x15: {  	[timem:s7], [sflag:s23] =	dma.local [hbm:s5], s21  }
0x16: {  	_ =	swait.ge [sflag:s23], s21  }
0x17: {  	s4 =	ssub.s32 $0x0, s21;
	[sflag:s23] =	ssyncset.done $0x0  }
0x18: {  	[sflag:s23] =	ssyncadd.s32 s4;
	_ =	sdelay $0x1  }
0x19: {  	s24 =	simm.s32 $0x1B8B  }
0x1a: {  	_ =	swait.ge [sflag:s24], $0x1  }
0x1b: {  	[sflag:s24] =	ssyncset.done $0x0  }
0x1c: {  	s26 =	simm.s32 $0x1B8E;
	s25 =	sld [smem:$0x3FFE];
	[sflag:s24] =	ssyncadd.s32 $0xFFFFFFFF  }
0x1d: {  	s27 =	simm.s32 $execute0_lowered;
	[smem:$0x3FD2] =	sst s26  }
0x1e: {  	s5 =	sshll.u32 s27, $0x1;
	_ =	strace $0x8000004C;
	[dreg:$0x1] =	wrdreg $0xFFFFFFFF  }
0x1f: {  	s28 =	simm.s32 $_size_execute0_lowered;
	s3 =	sadd.s32 s3, s5;
	[dreg:$0x0] =	wrdreg $0x0  }
0x20: {  	s5 =	sshll.u32 s28, $0x1;
	[dreg:$0x2] =	wrdreg s3  }
0x21: {  	[dreg:$0x3] =	wrdreg s5  }
0x22: {  	[dreg:$0x4] =	wrdreg $0xC0  }
0x23: {  	_ =	task [dreg:s7], $0x5FFFF  }
0x24: {  	[dreg:$0x1] =	wrdreg $0xFFFFFFFF  }
0x25: {  	[dreg:$0x0] =	wrdreg $0x60  }
0x26: {  	[dreg:$0x2] =	wrdreg s25  }
0x27: {  	[dreg:$0x3] =	wrdreg s2  }
0x28: {  	[dreg:$0x4] =	wrdreg $0x9  }
0x29: {  	_ =	task.clear_ibuf [dreg:s7], $0x5FFFF;
	_ =	strace $0x9000004C  }
0x2a: {  	s29 =	simm.s32 $0x9;
	_ =	strace $0x8000004E  }
0x2b: {  	_ =	swait.ge [sflag:s29], $0x1  }
0x2c: {  	[sflag:s29] =	ssyncadd.s32 $0xFFFFFFFF  }
0x2d: {  	_ =	strace $0x9000004E  }
0x2e: {  	_ =	sfence  }
0x2f: {  	s30 =	sld [smem:$0x0];
	_ =	sdelay $0x2  }
0x30: {  	s31 =	sshll.u32 s1, $0xD;
	s1 =	sshrl.u32 s1, $0x2  }
0x31: {  	s3 =	sand.u32 $0x4000, s31;
	s1 =	sadd.s32 s1, s30  }
0x32: {  	s0 =	sor.u32 s3, s0;
	s1 =	sshll.u32 s1, $0x11  }
0x33: {  	s0 =	sor.u32 s1, s0  }
0x34: {  	s0 =	sadd.s32 $0x8F2B, s0  }
0x35: {  	[sflag:s0] =	ssyncadd.remote.s32 $0x1  }
0x36: {  	_ =	sfence.sel $0xFFFF  }
0x37: {  	[dreg:$0x0] =	wrdreg $0xFFFFFFFF;
	(pc) =	sbr.abs _section_cstart, $3  }
0x38: {  	[dreg:$0x1] =	wrdreg $0xFFFFFFFF  }
0x39: {  	_ =	task.clear_ibuf [dreg:s7], $0x2FFFF;
	_ =	strace $0x9FFFFFFF  }
0x3a: {  	(tm) =	ssettm $0x7FFFFFFF  }
0x3b: {  	_ =	shalt  }
tec
execute0_lowered:
.L_overlay_start_1:
0x0: {  	(tag) =	ssettag $0x1  }
0x1: {  	s5 =	rddreg [dreg:$0x0]  }
0x2: {  	s0 =	srdreg.scid;
	s3 =	rddreg [dreg:$0x1];
	s7 =	simm.s32 $0x1  }
0x3: {  	s8 =	simm.s32 $0x2;
	s18 =	simm.s32 $0x0;
	s1 =	sshll.u32 s0, $0x4  }
0x4: {  	s17 =	simm.s32 $0x0;
	s0 =	stileid.u32;
	s1 =	sand.u32 $0x10, s1  }
0x5: {  	s16 =	simm.s32 $0x0;
	s9 =	simm.s32 $0x0;
	s1 =	sor.u32 s0, s1  }
0x6: {  	s10 =	simm.s32 $0x0;
	s11 =	simm.s32 $0x0;
	s2 =	sshll.u32 s1, $0x7  }
0x7: {  	s12 =	simm.s32 $0x0;
	s13 =	simm.s32 $0x0;
	s6 =	ssub.s32 $0x1000, s2  }
0x8: {  	s15 =	simm.s32 $0x0;
	s5 =	sadd.s32 $0xE00, s5;
	s4 =	sand.u32 $0xF80, s6  }
.Ltmp0:
0x9: {  	s1 =	rddreg [dreg:$0x2];
	p0 =	sne.s32 s4, $0x0;
	(pc) =	sbr.rel .LBB1_1-.Ltmp0, $4  }
0xa: {  	_ =	strace $0x8000004D;
	s6 =	sshrl.u32 s6, $0xC;
	s7 =	simm.s32 @!p0 $0x0  }
0xb: {  	s14 =	smov.u32 s2;
	s4 =	simm.s32 $0x1;
	s6 =	sadd.s32 s7, s6  }
0xc: {  	[sflag:s4] =	ssyncpa.u1 $0x0;
	p0 =	por $0x0, $0x0;
	s6 =	sshll.u32 s6, $0x7  }
0xd: {  	[sflag:s8] =	ssyncpa.u1 $0x0;
	s8 =	simm.s32 $0x40000;
	s7 =	sor.u32 $0x1, s6  }
.LBB1_4:
0xe: {  	s23 =	sshra.s32 s23, $0x2;
	s24 =	sshll.u32 s11, $0x3  }
0xf: {  	s28 =	sand.u32 $0x78, s11;
	p2 =	sgt.s32 s10, $0x3F;
	s26 =	sshra.s32 s10, $0x1F  }
0x10: {  	p1 =	sgt.s32 s9, $0x48;
	s27 =	sshra.s32 s11, $0x1F;
	s25 =	sand.u32 $0xC00, s24  }
0x11: {  	s22 =	sadd.s32 s23, s22;
	s23 =	sor.u32 s28, s25;
	s25 =	smov.u32 s10  }
0x12: {  	s29 =	sshra.s32 s9, $0x1F;
	s26 =	sand.u32 s26, s10;
	s25 =	simm.s32 @!p2 $0x3F  }
0x13: {  	p2 =	sgt.s32 s11, $0xF80;
	s25 =	ssub.s32 s25, s26;
	s26 =	smov.u32 s11  }
0x14: {  	s27 =	sand.u32 s27, s11;
	s28 =	sadd.s32 $0xFFFFFFC1, s25;
	s26 =	simm.s32 @!p2 $0xF80  }
0x15: {  	v5 =	vld [tilespmem:s20+$0xFFFFFFD0];
	[tilespmem:s21+$0x2040 ss:$0x81] =	vst.msk $0xffff, v4;
	s25 =	ssub.s32 $0x40, s25;
	p2 =	sgt.s32 s28, $0x0;
	s28 =	smov.u32 s9  }
0x16: {  	v58 =	vld [tilespmem:s20+$0xFFFFFFE0];
	[tilespmem:s21+$0x2850 ss:$0x81] =	vst.msk $0xffff, v3;
	s26 =	ssub.s32 s26, s27;
	s27 =	sand.u32 s29, s9;
	s29 =	sshll.u32 s10, $0x7  }
0x17: {  	v59 =	vld [tilespmem:s20+$0xFFFFFFF0];
	[tilespmem:s21+$0x3060 ss:$0x81] =	vst.msk $0xffff, v2;
	s28 =	simm.s32 @!p1 $0x48;
	s25 =	simm.s32 @p2 $0x0;
	s30 =	sadd.s32 $0xFFFFF080, s26  }
0x18: {  	[tilespmem:s21+$0x0 ss:$0x81] =	vst.msk $0xffff, v1;
	v60 =	vld [tilespmem:s20+$0x0];
	s26 =	ssub.s32 $0x1000, s26;
	s27 =	ssub.s32 s28, s27;
	p1 =	sgt.s32 s30, $0x7F  }
0x19: {  	v61 =	vld [tilespmem:s20+$0x10];
	[tilespmem:s22+$0x3870 ss:$0x81] =	vst.msk $0xffff, v0;
	s28 =	sshll.u32 s10, $0xC;
	s30 =	sand.u32 $0x3FC00, s24;
	s31 =	sadd.s32 $0xFFFFFFB8, s27  }
0x1a: {  	v62 =	vld [tilespmem:s20+$0x20];
	[tilespmem:s22+$0x810 ss:$0x81] =	vst.msk $0xffff, v5;
	s26 =	simm.s32 @p1 $0x0;
	s21 =	sand.u32 $0x38000, s28;
	s28 =	sand.u32 $0x7, s11  }
0x1b: {  	v63 =	vld [tilespmem:s20+$0xFFFFFFC0];
	[tilespmem:s22+$0x1020 ss:$0x81] =	vst.msk $0xffff, v58;
	p1 =	sgt.s32 s31, $0x7F;
	s25 =	smul.u32 s26, s25;
	s31 =	sand.u32 $0x380, s29  }
0x1c: {  	[tilespmem:s22+$0x1830 ss:$0x81] =	vst.msk $0xffff, v59;
	s26 =	ssub.s32 $0xC8, s27;
	s20 =	sadd.s32 s30, s21;
	s27 =	sshll.u32 s9, $0xF  }
0x1d: {  	[tilespmem:s22+$0x2040 ss:$0x81] =	vst.msk $0xffff, v60;
	s23 =	sor.u32 s31, s23;
	s26 =	simm.s32 @p1 $0x0;
	s20 =	sshrl.u32 s20, $0x3  }
0x1e: {  	[tilespmem:s22+$0x2850 ss:$0x81] =	vst.msk $0xffff, v61;
	s24 =	sadd.s32 s3, s27;
	s26 =	smul.u32 s26, s25;
	s20 =	sand.u32 $0x7E00, s20  }
0x1f: {  	[tilespmem:s22+$0x3060 ss:$0x81] =	vst.msk $0xffff, v62;
	s29 =	sshll.u32 s28, $0x12;
	s21 =	sshrl.u32 s23, $0x3;
	s20 =	sadd.s32 s20, s24  }
0x20: {  	[tilespmem:s22+$0x0 ss:$0x81] =	vst.msk $0xffff, v63;
	s31 =	sor.u32 $0x80, s29;
	s30 =	sand.u32 $0x3FFFFFFF, s26;
	s20 =	sadd.s32 s21, s20  }
0x21: {  	[hbm4b:s20+s31] =	stream.strided.scatter [tilespmem:s19], [sflag:$0x2], s30, s8, s31, $0x20;
	[tilespmem:$0x10100] =	vst v63  }
.LBB1_5:
0x22: {  	p1 =	slt.u32 s15, $0x2  }
0x23: {  	p2 =	sgt.s32 @!p1 s18, $0x48  }
0x24: {  	s19 =	smov.u32 s18;
	s20 =	sshra.s32 @!p1 s18, $0x1F;
	p2 =	por !p2, p1  }
0x25: {  	s18 =	sand.u32 @!p1 s20, s18;
	s19 =	simm.s32 @p2 $0x48  }
0x26: {  	s20 =	sshra.s32 @!p1 s17, $0x1F;
	p2 =	sgt.s32 @!p1 s17, $0x3F;
	s18 =	ssub.s32 @!p1 s19, s18  }
0x27: {  	p2 =	por !p2, p1;
	s19 =	smov.u32 s17;
	s17 =	sand.u32 @!p1 s20, s17  }
0x28: {  	s20 =	sshra.s32 @!p1 s16, $0x1F;
	s19 =	simm.s32 @p2 $0x3F;
	p2 =	sgt.s32 @!p1 s16, $0xF80  }
0x29: {  	s17 =	ssub.s32 @!p1 s19, s17;
	p2 =	por !p2, p1;
	s19 =	smov.u32 s16  }
0x2a: {  	s16 =	sand.u32 @!p1 s20, s16;
	s20 =	sadd.s32 @!p1 $0xFFFFFFC1, s17;
	s19 =	simm.s32 @p2 $0xF80  }
0x2b: {  	p2 =	sgt.s32 @!p1 s20, $0x0;
	s16 =	ssub.s32 @!p1 s19, s16  }
0x2c: {  	s17 =	ssub.s32 @!p1 $0x40, s17;
	p2 =	por !p2, p1;
	s19 =	sadd.s32 @!p1 $0xFFFFF080, s16  }
0x2d: {  	s17 =	simm.s32 @!p2 $0x0;
	p2 =	sgt.s32 @!p1 s19, $0x7F  }
0x2e: {  	s21 =	smov.u32 s14;
	s16 =	ssub.s32 @!p1 $0x1000, s16;
	p2 =	por !p2, p1  }
0x2f: {  	s20 =	sadd.s32 @!p1 $0xFFFFFFB8, s18;
	s19 =	sadd.s32 $0x80, s12;
	s16 =	simm.s32 @!p2 $0x0  }
0x30: {  	p2 =	sgt.s32 s19, $0xC7;
	s16 =	smul.u32 @!p1 s16, s17;
	s17 =	simm.s32 $0x1  }
0x31: {  	p0 =	por !p0, !p0;
	p3 =	sgt.s32 @!p1 s20, $0x7F;
	s17 =	simm.s32 @!p2 $0x0  }
0x32: {  	s18 =	ssub.s32 @!p1 $0xC8, s18;
	p3 =	por !p3, p1;
	s20 =	sadd.s32 s17, s13  }
0x33: {  	s18 =	simm.s32 @!p3 $0x0;
	s17 =	sadd.s32 $0x1000, s14;
	p3 =	sgt.s32 s20, $0x3F  }
0x34: {  	s22 =	simm.s32 @!p1 $0x2;
	s19 =	simm.s32 @p2 $0x0;
	s21 =	smov.u32 @p3 s17  }
0x35: {  	s16 =	smul.u32 @!p1 s18, s16;
	s18 =	smov.u32 s9;
	p2 =	sgt.s32 s21, $0xFFF  }
0x36: {  	s9 =	smov.u32 s12;
	s21 =	smov.u32 @p2 s2;
	p2 =	sne.s32 s15, s7  }
.Ltmp1:
0x37: {  	s12 =	smov.u32 s19;
	s16 =	sand.u32 @!p1 $0x3FFFFFFF, s16;
	(pc) =	sbr.rel @!p2 .LBB1_6-.Ltmp1, $4  }
0x38: {  	s20 =	simm.s32 @p3 $0x0;
	s17 =	smov.u32 s10;
	s10 =	smov.u32 s13  }
0x39: {  	_ =	swait.ge @!p1 [sflag:s22], s16;
	s23 =	ssub.s32 @!p1 $0x0, s16;
	s16 =	smov.u32 s11  }
0x3a: {  	s11 =	smov.u32 s14;
	s13 =	smov.u32 s20;
	[sflag:s22] =	ssyncset.done @!p1 $0x0  }
0x3b: {  	s15 =	sadd.s32 $0x1, s15;
	[sflag:s22] =	ssyncadd.s32 @!p1 s23;
	s14 =	smov.u32 s21  }
.LBB1_1:
0x3c: {  	p1 =	sge.u32 s15, s6  }
0x3d: {  	s31 =	sadd.s32 $0xFFFFFFFF, s15;
	s19 =	sxor.u32 @!p1 $0xFFFFFFFF, s15  }
0x3e: {  	s20 =	sshll.u32 @!p1 s13, $0x8;
	s21 =	sshll.u32 @!p1 s12, $0x3;
	s22 =	sshll.u32 @!p1 s13, $0x7  }
0x3f: {  	s23 =	sand.u32 @!p1 $0x78, s12;
	s20 =	sand.u32 @!p1 $0x3800, s20;
	s21 =	sand.u32 @!p1 $0x3C00, s21  }
0x40: {  	s19 =	sshll.u32 @!p1 s19, $0xE;
	s20 =	sadd.s32 @!p1 s20, s21;
	s21 =	sand.u32 @!p1 $0x300, s22  }
0x41: {  	s19 =	sand.u32 @!p1 $0x4000, s19;
	s20 =	sor.u32 @!p1 s21, s20;
	s21 =	sand.u32 @!p1 $0x80, s22  }
0x42: {  	s22 =	sshll.u32 @!p1 s14, $0xB;
	s21 =	sor.u32 @!p1 s23, s21;
	s20 =	sshrl.u32 @!p1 s20, $0x3  }
0x43: {  	s22 =	sadd.s32 @!p1 s5, s22;
	s23 =	sand.u32 @!p1 $0x7, s12;
	s21 =	sshrl.u32 @!p1 s21, $0x3  }
0x44: {  	s20 =	sand.u32 @!p1 $0x7E0, s20;
	s21 =	sadd.s32 @!p1 s21, s22;
	s22 =	sshll.u32 @!p1 s23, $0x12  }
0x45: {  	s20 =	sadd.s32 @!p1 s20, s21;
	s21 =	sor.u32 @!p1 $0x80, s22;
	s22 =	simm.s32 @!p1 $0x4000  }
0x46: {  	[tilespmem:s19], [sflag:$0x1] =	stream.strided.gather @!p1 [hbm4b:s20+s21], $0x4000, s22, s21, $0x38;
	[tilespmem:$0x10100] =	vst v63  }
0x47: {  	p1 =	sge.u32 s31, s6  }
.Ltmp2:
0x48: {  	_ = 	snop;
	(pc) =	sbr.rel @p1 .LBB1_5-.Ltmp2, $1  }
0x49: {  	_ =	sdelay $0x3  }
0x4a: {  	s19 =	simm.s32 $0x1  }
0x4b: {  	_ =	swait.ge [sflag:s4], $0x4000;
	s19 =	simm.s32 @!p0 $0x0  }
0x4c: {  	[sflag:s4] =	ssyncset.done $0x0;
	s20 =	sshll.u32 s19, $0xE  }
0x4d: {  	[sflag:s4] =	ssyncadd.s32 $0xFFFFC000;
	s20 =	sor.u32 $0x40, s20  }
0x4e: {  	s19 =	smul.u32 $0x10200, s19;
	v0 =	vld [tilespmem:s20+$0x30]  }
0x4f: {  	v1 =	vld [tilespmem:s20+$0xFFFFFFD0]  }
0x50: {  	s19 =	sshrl.u32 s19, $0x2;
	v5 =	vld [tilespmem:s20+$0xFFFFFFE0]  }
0x51: {  	v6 =	vld [tilespmem:s20+$0xFFFFFFF0];
	s22 =	sor.u32 $0x8000, s19  }
0x52: {  	s31 =	sand.u32 $0x1, s15;
	v4 =	vld [tilespmem:s20+$0x0];
	s21 =	sadd.s32 $0x0, s22  }
0x53: {  	v3 =	vld [tilespmem:s20+$0x10];
	s19 =	smul.u32 $0x10200, s31;
	[tilespmem:s21+$0x3870 ss:$0x81] =	vst.msk $0xffff, v0  }
0x54: {  	v2 =	vld [tilespmem:s20+$0x20];
	[tilespmem:s21+$0x810 ss:$0x81] =	vst.msk $0xffff, v1  }
0x55: {  	s19 =	sshrl.u32 s19, $0x2;
	v1 =	vld [tilespmem:s20+$0xFFFFFFC0];
	[tilespmem:s21+$0x1020 ss:$0x81] =	vst.msk $0xffff, v5;
	s20 =	sadd.s32 $0x80, s20  }
0x56: {  	s23 =	simm.s32 $0x4;
	s24 =	simm.s32 $0x8;
	s19 =	sor.u32 $0x8000, s19;
	[tilespmem:s21+$0x1830 ss:$0x81] =	vst.msk $0xffff, v6;
	v0 =	vld [tilespmem:s20+$0x30]  }
.LBB1_3:
0x57: {  	p1 =	sne.s32 s24, $0x1FC;
	v5 =	vld [tilespmem:s20+$0xFFFFFFD0];
	[tilespmem:s21+$0x2040 ss:$0x81] =	vst.msk $0xffff, v4  }
0x58: {  	v6 =	vld [tilespmem:s20+$0xFFFFFFE0];
	[tilespmem:s21+$0x2850 ss:$0x81] =	vst.msk $0xffff, v3  }
0x59: {  	s25 =	sshra.s32 s23, $0x2;
	s23 =	smov.u32 s24;
	v7 =	vld [tilespmem:s20+$0xFFFFFFF0];
	[tilespmem:s21+$0x3060 ss:$0x81] =	vst.msk $0xffff, v2  }
.Ltmp3:
0x5a: {  	v4 =	vld [tilespmem:s20+$0x0];
	[tilespmem:s21+$0x0 ss:$0x81] =	vst.msk $0xffff, v1;
	s21 =	sadd.s32 s25, s22;
	(pc) =	sbr.rel @p1 .LBB1_3-.Ltmp3, $4  }
0x5b: {  	v3 =	vld [tilespmem:s20+$0x10];
	[tilespmem:s21+$0x3870 ss:$0x81] =	vst.msk $0xffff, v0  }
0x5c: {  	[tilespmem:s21+$0x810 ss:$0x81] =	vst.msk $0xffff, v5;
	v2 =	vld [tilespmem:s20+$0x20]  }
0x5d: {  	v1 =	vld [tilespmem:s20+$0xFFFFFFC0];
	[tilespmem:s21+$0x1020 ss:$0x81] =	vst.msk $0xffff, v6;
	s20 =	sadd.s32 $0x80, s20  }
0x5e: {  	s24 =	sadd.s32 $0x4, s24;
	v0 =	vld [tilespmem:s20+$0x30];
	[tilespmem:s21+$0x1830 ss:$0x81] =	vst.msk $0xffff, v7  }
.Ltmp4:
0x5f: {  	_ = 	snop;
	(pc) =	sbr.rel .LBB1_4-.Ltmp4, $1  }
0x60: {  	_ =	sdelay $0x3  }
.LBB1_6:
0x61: {  	_ =	sfence.sel $0x180000  }
0x62: {  	s2 =	simm.s32 $0x1;
	[bflag:$0x0] =	sbarrier.arrive $0xFFFF  }
0x63: {  	s31 =	simm.s32 $0x2;
	[sflag:s2] =	ssyncpa.u1 $0x1  }
0x64: {  	[sflag:s31] =	ssyncpa.u1 $0x1  }
0x65: {  	p0 =	sne.s32 s0, $0x0;
	_ =	strace $0x9000004D  }
0x66: {  	s0 =	sadd.s32 @!p0 $0x100000, s1;
	[bflag:$0x2] =	sbarrier.arrive $0xFFFF  }
0x67: {  	[sflag:s0] =	ssyncadd.tile.s32 @!p0 $0x1;
	_ =	shalt  }
.Lfunc_end1:
_tile_overlayer_lowered:
.L_overlay_start_2:
0x68: {  	(tag) =	ssettag $0x2  }
0x69: {  	s0 =	rddreg [dreg:$0x0];
	s2 =	stileid.u32  }
0x6a: {  	s1 =	rddreg [dreg:$0x1];
	p0 =	sne.s32 s2, $0x0  }
0x6b: {  	s3 =	rddreg [dreg:$0x2];
	[bflag:$0x3] =	sbarrier.arrive $0xFFFF;
	s2 =	simm.s32 @!p0 $0x1C01  }
0x6c: {  	[timem:s3], [sflag:s2] =	dma.local @!p0 [hbm:s0], s1  }
0x6d: {  	s0 =	simm.s32 @!p0 $0x1  }
0x6e: {  	_ =	swait.ge @!p0 [sflag:s0], s1  }
0x6f: {  	s1 =	ssub.s32 @!p0 $0x0, s1;
	[sflag:s0] =	ssyncset.done @!p0 $0x0  }
0x70: {  	[sflag:s0] =	ssyncadd.s32 @!p0 s1  }
0x71: {  	[bflag:$0x3] =	sbarrier.arrive $0xFFFF  }
0x72: {  	_ =	shalt  }

</sc_bundles>
